<compile_context>
chip_gen: v7x
topology: tpu7x:2x2x1
jax: 0.10.2.dev20260603
libtpu: 0.0.44.dev20260713+nightly
codegen_flags: <defaults>
</compile_context>

<pallas_src>
import jax
import jax.numpy as jnp
from jax import lax
from jax.experimental import pallas as pl
from jax.experimental.pallas import tpu as pltpu
from jax.experimental.pallas import tpu_sc as plsc

VOCAB = 10001
EMBED = 16
SEQ = 200
PRS = 96
CPR = PRS + 8
BATCH = 16384
VP = 10112
NC, NS, L = 2, 16, 16
NW = NC * NS
RPW = BATCH // NW
KB = RPW // 128
WPG = 16
GRID = NW // WPG


def _prep_body(idx_ref, table_ref, w_ref, b_ref, re_ref, tw_ref):
    @pl.when(pl.program_id(0) == 0)
    def _():
        row = jnp.dot(w_ref[...], table_ref[...],
                      preferred_element_type=jnp.float32)
        s = ((row + b_ref[0]) * (1.0 / SEQ)).reshape(VOCAB)
        tw_ref[...] = jnp.zeros((VP,), jnp.float32)
        tw_ref[pl.ds(0, VOCAB)] = s

    blk = idx_ref[...]
    pa = blk[0:PRS, :] | (blk[PRS:2 * PRS, :] << 16)
    pb = blk[2 * PRS:SEQ, :] | (VOCAB << 16)
    for k in range(WPG * KB):
        re_ref[k * CPR:k * CPR + PRS, :] = pa[:, k * 128:(k + 1) * 128]
        re_ref[k * CPR + PRS:(k + 1) * CPR, :] = pb[:, k * 128:(k + 1) * 128]


def _pool_body(tw_hbm, idx_hbm, out_hbm, tw_v, b0, b1, out_v, s0, s1):
    wid = lax.axis_index("s") * NC + lax.axis_index("c")
    base = wid * (KB * CPR)
    buf, sem = (b0, b1), (s0, s1)

    def start(k):
        return pltpu.async_copy(
            idx_hbm.at[pl.ds(base + k * CPR, CPR)], buf[k % 2], sem[k % 2])

    cps = [None, None]
    cps[0] = start(0)
    pltpu.sync_copy(tw_hbm, tw_v)
    zero = jnp.zeros((L,), jnp.float32)
    mask16 = jnp.full((L,), 0xFFFF, jnp.int32)
    for k in range(KB):
        if k + 1 < KB:
            cps[(k + 1) % 2] = start(k + 1)
        cps[k % 2].wait()
        bk = buf[k % 2]

        def step(l, accs):
            out = []
            for g, a in enumerate(accs):
                w = bk[l, pl.ds(g * L, L)]
                a = a + plsc.load_gather(tw_v, [w & mask16])
                a = a + plsc.load_gather(tw_v, [lax.shift_right_logical(w, 16)])
                out.append(a)
            return tuple(out)

        accs = lax.fori_loop(0, CPR, step, (zero,) * 8)
        for g in range(8):
            out_v[pl.ds(k * 128 + g * L, L)] = accs[g]
    pltpu.sync_copy(out_v, out_hbm.at[pl.ds(wid * RPW, RPW)])


def kernel(inputs, table, dense_w, dense_b):
    idx_t = inputs.astype(jnp.int32).T
    table_t = table.T
    idx_re, tw = pl.pallas_call(
        _prep_body,
        grid=(GRID,),
        in_specs=[
            pl.BlockSpec((SEQ, WPG * RPW), lambda i: (0, i)),
            pl.BlockSpec((EMBED, VOCAB), lambda i: (0, 0)),
            pl.BlockSpec((1, EMBED), lambda i: (0, 0)),
            pl.BlockSpec((1,), lambda i: (0,)),
        ],
        out_specs=[
            pl.BlockSpec((WPG * KB * CPR, 128), lambda i: (i, 0)),
            pl.BlockSpec((VP,), lambda i: (0,)),
        ],
        out_shape=[
            jax.ShapeDtypeStruct((NW * KB * CPR, 128), jnp.int32),
            jax.ShapeDtypeStruct((VP,), jnp.float32),
        ],
    )(idx_t, table_t, dense_w.T, dense_b.astype(jnp.float32))

    pool = pl.kernel(
        _pool_body,
        out_type=jax.ShapeDtypeStruct((BATCH,), jnp.float32),
        mesh=plsc.VectorSubcoreMesh(core_axis_name="c", subcore_axis_name="s"),
        scratch_types=[
            pltpu.VMEM((VP,), jnp.float32),
            pltpu.VMEM((CPR, 128), jnp.int32),
            pltpu.VMEM((CPR, 128), jnp.int32),
            pltpu.VMEM((RPW,), jnp.float32),
            pltpu.SemaphoreType.DMA,
            pltpu.SemaphoreType.DMA,
        ],
        compiler_params=pltpu.CompilerParams(needs_layout_passes=False),
    )
    out = pool(tw, idx_re)
    return out.reshape(BATCH, 1)

# --- scband reference (transcript-rebuilt; emitter-appended) ---
"""Pipeline reference for scband-imdb-model-32461362823793 (READ-ONLY COPY).

The authoritative reference and input builder live on the scoring server;
editing this copy changes nothing except your own understanding.
"""

import jax, jax.numpy as jnp
import numpy as np

VOCAB = 10001
EMBED_DIM = 16
BATCH = 16384
SEQ = 200

def setup_inputs(seed: int = 0) -> dict:
    key = jax.random.key(seed)
    k1, k2, k3, k4 = jax.random.split(key, 4)
    inputs = jax.random.randint(k1, (BATCH, SEQ), 0, VOCAB, dtype=jnp.int64 if jax.config.jax_enable_x64 else jnp.int32)
    table = jax.random.normal(k2, (VOCAB, EMBED_DIM), dtype=jnp.float32) * 0.05
    dense_w = jax.random.normal(k3, (EMBED_DIM, 1), dtype=jnp.float32) * 0.25
    dense_b = jnp.zeros((1,), dtype=jnp.float32)
    return {"inputs": inputs, "table": table, "dense_w": dense_w, "dense_b": dense_b}

def reference(inputs, table, dense_w, dense_b):
    # Embedding lookup: [B, L] -> [B, L, D]
    x = jnp.take(table, inputs, axis=0)
    # Dropout layers are identity at inference time
    # GlobalAveragePooling1D: mean over sequence axis
    x = jnp.mean(x, axis=1)
    # Dense(1)
    out = x @ dense_w + dense_b
    return out

if __name__ == "__main__":
    import jax
    _d = setup_inputs()
    print(jax.jit(kernel)(*tuple(_d.values())))

</pallas_src>

<mosaic_0001>
#map = affine_map<(d0, d1) -> (0)>
#map1 = affine_map<(d0, d1) -> (0, 0)>
module attributes {stable_mosaic.version = 14 : i64} {
  func.func @_pool_body(%arg0: i32, %arg1: i32, %arg2: memref<10112xf32, #tpu.memory_space<hbm>>, %arg3: memref<13312x128xi32, #tpu.memory_space<hbm>>, %arg4: memref<16384xf32, #tpu.memory_space<hbm>>, %arg5: memref<10112xf32, #tpu.memory_space<vmem>>, %arg6: memref<104x128xi32, #tpu.memory_space<vmem>>, %arg7: memref<104x128xi32, #tpu.memory_space<vmem>>, %arg8: memref<512xf32, #tpu.memory_space<vmem>>, %arg9: memref<!tpu.dma_semaphore, #tpu.memory_space<semaphore_mem>>, %arg10: memref<!tpu.dma_semaphore, #tpu.memory_space<semaphore_mem>>) attributes {dimension_semantics = [#tpu.dimension_semantics<core_parallel>, #tpu.dimension_semantics<subcore_parallel>], iteration_bounds = array<i64: 2, 16>, scalar_prefetch = 0 : i64, scratch_operands = 6 : i64, tpu.core_type = #tpu.core_type<sc_vector_subcore>, window_params = [{transform_indices = #map}, {transform_indices = #map1}, {transform_indices = #map}]} {
    %mul3A = arith.constant 2 : i32
    %mul3A_0 = arith.muli %arg1, %mul3A : i32
    %add3A = arith.addi %mul3A_0, %arg0 : i32
    %mul3A_1 = arith.constant 416 : i32
    %mul3A_2 = arith.muli %add3A, %mul3A_1 : i32
    %add3A_3 = arith.constant 0 : i32
    %add3A_4 = arith.addi %mul3A_2, %add3A_3 : i32
    %dma_start3A = arith.constant 0 : i32
    %dma_start3A_5 = tpu.memref_slice %arg3[%add3A_4, %dma_start3A] : memref<13312x128xi32, #tpu.memory_space<hbm>> -> memref<104x128xi32, #tpu.memory_space<hbm>>
    %dma_start3A_6 = arith.constant 0 : i32
    %dma_start3A_7 = tpu.memref_slice %arg3[%add3A_4, %dma_start3A_6] : memref<13312x128xi32, #tpu.memory_space<hbm>> -> memref<104x128xi32, #tpu.memory_space<hbm>>
    tpu.enqueue_dma source(%dma_start3A_7 : memref<104x128xi32, #tpu.memory_space<hbm>>) target(%arg6 : memref<104x128xi32, #tpu.memory_space<vmem>>) target_semaphore(%arg9 : memref<!tpu.dma_semaphore, #tpu.memory_space<semaphore_mem>>)
    "tpu.region"() ({
      %run_scoped3A = tpu.sem_alloc : memref<!tpu.dma_semaphore, #tpu.memory_space<semaphore_mem>>
      tpu.enqueue_dma source(%arg2 : memref<10112xf32, #tpu.memory_space<hbm>>) target(%arg5 : memref<10112xf32, #tpu.memory_space<vmem>>) target_semaphore(%run_scoped3A : memref<!tpu.dma_semaphore, #tpu.memory_space<semaphore_mem>>)
      tpu.wait_dma2 semaphore(%run_scoped3A : memref<!tpu.dma_semaphore, #tpu.memory_space<semaphore_mem>>) src(%arg2 : memref<10112xf32, #tpu.memory_space<hbm>>) dst(%arg5 : memref<10112xf32, #tpu.memory_space<vmem>>)
      tpu.yield
    }) : () -> ()
    %broadcast_in_dim3A = arith.constant 0.000000e+00 : f32
    %broadcast_in_dim3A_8 = vector.broadcast %broadcast_in_dim3A : f32 to vector<16xf32>
    %broadcast_in_dim3A_9 = arith.constant 65535 : i32
    %broadcast_in_dim3A_10 = vector.broadcast %broadcast_in_dim3A_9 : i32 to vector<16xi32>
    %add3A_11 = arith.constant 104 : i32
    %add3A_12 = arith.addi %mul3A_2, %add3A_11 : i32
    %dma_start3A_13 = arith.constant 0 : i32
    %dma_start3A_14 = tpu.memref_slice %arg3[%add3A_12, %dma_start3A_13] : memref<13312x128xi32, #tpu.memory_space<hbm>> -> memref<104x128xi32, #tpu.memory_space<hbm>>
    %dma_start3A_15 = arith.constant 0 : i32
    %dma_start3A_16 = tpu.memref_slice %arg3[%add3A_12, %dma_start3A_15] : memref<13312x128xi32, #tpu.memory_space<hbm>> -> memref<104x128xi32, #tpu.memory_space<hbm>>
    tpu.enqueue_dma source(%dma_start3A_16 : memref<104x128xi32, #tpu.memory_space<hbm>>) target(%arg7 : memref<104x128xi32, #tpu.memory_space<vmem>>) target_semaphore(%arg10 : memref<!tpu.dma_semaphore, #tpu.memory_space<semaphore_mem>>)
    %dma_wait3A = arith.constant 0 : i32
    %dma_wait3A_17 = tpu.memref_slice %arg3[%add3A_4, %dma_wait3A] : memref<13312x128xi32, #tpu.memory_space<hbm>> -> memref<104x128xi32, #tpu.memory_space<hbm>>
    %dma_wait3A_18 = arith.constant 0 : i32
    %dma_wait3A_19 = tpu.memref_slice %arg3[%add3A_4, %dma_wait3A_18] : memref<13312x128xi32, #tpu.memory_space<hbm>> -> memref<104x128xi32, #tpu.memory_space<hbm>>
    tpu.wait_dma2 semaphore(%arg9 : memref<!tpu.dma_semaphore, #tpu.memory_space<semaphore_mem>>) src(%dma_wait3A_19 : memref<104x128xi32, #tpu.memory_space<hbm>>) dst(%arg6 : memref<104x128xi32, #tpu.memory_space<vmem>>)
    %scan3A = arith.constant 0 : i32
    %scan3A_20 = arith.constant 104 : i32
    %scan3A_21 = arith.addi %scan3A, %scan3A_20 : i32
    %scan3A_22 = arith.constant 1 : i32
    %scan3A_23:8 = scf.for %scan3A_132 = %scan3A to %scan3A_21 step %scan3A_22 iter_args(%scan3A_133 = %broadcast_in_dim3A_8, %scan3A_134 = %broadcast_in_dim3A_8, %scan3A_135 = %broadcast_in_dim3A_8, %scan3A_136 = %broadcast_in_dim3A_8, %scan3A_137 = %broadcast_in_dim3A_8, %scan3A_138 = %broadcast_in_dim3A_8, %scan3A_139 = %broadcast_in_dim3A_8, %scan3A_140 = %broadcast_in_dim3A_8) -> (vector<16xf32>, vector<16xf32>, vector<16xf32>, vector<16xf32>, vector<16xf32>, vector<16xf32>, vector<16xf32>, vector<16xf32>)  : i32 {
      %get3A = arith.index_cast %scan3A_132 : i32 to index
      %get3A_141 = arith.constant 0 : index
      %get3A_142 = tpu.vector_load %arg6[%get3A, %get3A_141] {strides = array<i32>} : memref<104x128xi32, #tpu.memory_space<vmem>>, vector<16xi32>,
      %and3A = arith.andi %get3A_142, %broadcast_in_dim3A_10 : vector<16xi32>
      %gather3A = tpu.vector_load_idx %arg5[%and3A] : memref<10112xf32, #tpu.memory_space<vmem>>[vector<16xi32>], vector<16xf32>,
      %add3A_143 = arith.addf %scan3A_133, %gather3A : vector<16xf32>
      %shift_right_logical3A = arith.constant 16 : i32
      %shift_right_logical3A_144 = vector.broadcast %shift_right_logical3A : i32 to vector<16xi32>
      %shift_right_logical3A_145 = arith.shrui %get3A_142, %shift_right_logical3A_144 : vector<16xi32>
      %gather3A_146 = tpu.vector_load_idx %arg5[%shift_right_logical3A_145] : memref<10112xf32, #tpu.memory_space<vmem>>[vector<16xi32>], vector<16xf32>,
      %add3A_147 = arith.addf %add3A_143, %gather3A_146 : vector<16xf32>
      %get3A_148 = arith.index_cast %scan3A_132 : i32 to index
      %get3A_149 = arith.constant 16 : index
      %get3A_150 = tpu.vector_load %arg6[%get3A_148, %get3A_149] {strides = array<i32>} : memref<104x128xi32, #tpu.memory_space<vmem>>, vector<16xi32>,
      %and3A_151 = arith.andi %get3A_150, %broadcast_in_dim3A_10 : vector<16xi32>
      %gather3A_152 = tpu.vector_load_idx %arg5[%and3A_151] : memref<10112xf32, #tpu.memory_space<vmem>>[vector<16xi32>], vector<16xf32>,
      %add3A_153 = arith.addf %scan3A_134, %gather3A_152 : vector<16xf32>
      %shift_right_logical3A_154 = arith.constant 16 : i32
      %shift_right_logical3A_155 = vector.broadcast %shift_right_logical3A_154 : i32 to vector<16xi32>
      %shift_right_logical3A_156 = arith.shrui %get3A_150, %shift_right_logical3A_155 : vector<16xi32>
      %gather3A_157 = tpu.vector_load_idx %arg5[%shift_right_logical3A_156] : memref<10112xf32, #tpu.memory_space<vmem>>[vector<16xi32>], vector<16xf32>,
      %add3A_158 = arith.addf %add3A_153, %gather3A_157 : vector<16xf32>
      %get3A_159 = arith.index_cast %scan3A_132 : i32 to index
      %get3A_160 = arith.constant 32 : index
      %get3A_161 = tpu.vector_load %arg6[%get3A_159, %get3A_160] {strides = array<i32>} : memref<104x128xi32, #tpu.memory_space<vmem>>, vector<16xi32>,
      %and3A_162 = arith.andi %get3A_161, %broadcast_in_dim3A_10 : vector<16xi32>
      %gather3A_163 = tpu.vector_load_idx %arg5[%and3A_162] : memref<10112xf32, #tpu.memory_space<vmem>>[vector<16xi32>], vector<16xf32>,
      %add3A_164 = arith.addf %scan3A_135, %gather3A_163 : vector<16xf32>
      %shift_right_logical3A_165 = arith.constant 16 : i32
      %shift_right_logical3A_166 = vector.broadcast %shift_right_logical3A_165 : i32 to vector<16xi32>
      %shift_right_logical3A_167 = arith.shrui %get3A_161, %shift_right_logical3A_166 : vector<16xi32>
      %gather3A_168 = tpu.vector_load_idx %arg5[%shift_right_logical3A_167] : memref<10112xf32, #tpu.memory_space<vmem>>[vector<16xi32>], vector<16xf32>,
      %add3A_169 = arith.addf %add3A_164, %gather3A_168 : vector<16xf32>
      %get3A_170 = arith.index_cast %scan3A_132 : i32 to index
      %get3A_171 = arith.constant 48 : index
      %get3A_172 = tpu.vector_load %arg6[%get3A_170, %get3A_171] {strides = array<i32>} : memref<104x128xi32, #tpu.memory_space<vmem>>, vector<16xi32>,
      %and3A_173 = arith.andi %get3A_172, %broadcast_in_dim3A_10 : vector<16xi32>
      %gather3A_174 = tpu.vector_load_idx %arg5[%and3A_173] : memref<10112xf32, #tpu.memory_space<vmem>>[vector<16xi32>], vector<16xf32>,
      %add3A_175 = arith.addf %scan3A_136, %gather3A_174 : vector<16xf32>
      %shift_right_logical3A_176 = arith.constant 16 : i32
      %shift_right_logical3A_177 = vector.broadcast %shift_right_logical3A_176 : i32 to vector<16xi32>
      %shift_right_logical3A_178 = arith.shrui %get3A_172, %shift_right_logical3A_177 : vector<16xi32>
      %gather3A_179 = tpu.vector_load_idx %arg5[%shift_right_logical3A_178] : memref<10112xf32, #tpu.memory_space<vmem>>[vector<16xi32>], vector<16xf32>,
      %add3A_180 = arith.addf %add3A_175, %gather3A_179 : vector<16xf32>
      %get3A_181 = arith.index_cast %scan3A_132 : i32 to index
      %get3A_182 = arith.constant 64 : index
      %get3A_183 = tpu.vector_load %arg6[%get3A_181, %get3A_182] {strides = array<i32>} : memref<104x128xi32, #tpu.memory_space<vmem>>, vector<16xi32>,
      %and3A_184 = arith.andi %get3A_183, %broadcast_in_dim3A_10 : vector<16xi32>
      %gather3A_185 = tpu.vector_load_idx %arg5[%and3A_184] : memref<10112xf32, #tpu.memory_space<vmem>>[vector<16xi32>], vector<16xf32>,
      %add3A_186 = arith.addf %scan3A_137, %gather3A_185 : vector<16xf32>
      %shift_right_logical3A_187 = arith.constant 16 : i32
      %shift_right_logical3A_188 = vector.broadcast %shift_right_logical3A_187 : i32 to vector<16xi32>
      %shift_right_logical3A_189 = arith.shrui %get3A_183, %shift_right_logical3A_188 : vector<16xi32>
      %gather3A_190 = tpu.vector_load_idx %arg5[%shift_right_logical3A_189] : memref<10112xf32, #tpu.memory_space<vmem>>[vector<16xi32>], vector<16xf32>,
      %add3A_191 = arith.addf %add3A_186, %gather3A_190 : vector<16xf32>
      %get3A_192 = arith.index_cast %scan3A_132 : i32 to index
      %get3A_193 = arith.constant 80 : index
      %get3A_194 = tpu.vector_load %arg6[%get3A_192, %get3A_193] {strides = array<i32>} : memref<104x128xi32, #tpu.memory_space<vmem>>, vector<16xi32>,
      %and3A_195 = arith.andi %get3A_194, %broadcast_in_dim3A_10 : vector<16xi32>
      %gather3A_196 = tpu.vector_load_idx %arg5[%and3A_195] : memref<10112xf32, #tpu.memory_space<vmem>>[vector<16xi32>], vector<16xf32>,
      %add3A_197 = arith.addf %scan3A_138, %gather3A_196 : vector<16xf32>
      %shift_right_logical3A_198 = arith.constant 16 : i32
      %shift_right_logical3A_199 = vector.broadcast %shift_right_logical3A_198 : i32 to vector<16xi32>
      %shift_right_logical3A_200 = arith.shrui %get3A_194, %shift_right_logical3A_199 : vector<16xi32>
      %gather3A_201 = tpu.vector_load_idx %arg5[%shift_right_logical3A_200] : memref<10112xf32, #tpu.memory_space<vmem>>[vector<16xi32>], vector<16xf32>,
      %add3A_202 = arith.addf %add3A_197, %gather3A_201 : vector<16xf32>
      %get3A_203 = arith.index_cast %scan3A_132 : i32 to index
      %get3A_204 = arith.constant 96 : index
      %get3A_205 = tpu.vector_load %arg6[%get3A_203, %get3A_204] {strides = array<i32>} : memref<104x128xi32, #tpu.memory_space<vmem>>, vector<16xi32>,
      %and3A_206 = arith.andi %get3A_205, %broadcast_in_dim3A_10 : vector<16xi32>
      %gather3A_207 = tpu.vector_load_idx %arg5[%and3A_206] : memref<10112xf32, #tpu.memory_space<vmem>>[vector<16xi32>], vector<16xf32>,
      %add3A_208 = arith.addf %scan3A_139, %gather3A_207 : vector<16xf32>
      %shift_right_logical3A_209 = arith.constant 16 : i32
      %shift_right_logical3A_210 = vector.broadcast %shift_right_logical3A_209 : i32 to vector<16xi32>
      %shift_right_logical3A_211 = arith.shrui %get3A_205, %shift_right_logical3A_210 : vector<16xi32>
      %gather3A_212 = tpu.vector_load_idx %arg5[%shift_right_logical3A_211] : memref<10112xf32, #tpu.memory_space<vmem>>[vector<16xi32>], vector<16xf32>,
      %add3A_213 = arith.addf %add3A_208, %gather3A_212 : vector<16xf32>
      %get3A_214 = arith.index_cast %scan3A_132 : i32 to index
      %get3A_215 = arith.constant 112 : index
      %get3A_216 = tpu.vector_load %arg6[%get3A_214, %get3A_215] {strides = array<i32>} : memref<104x128xi32, #tpu.memory_space<vmem>>, vector<16xi32>,
      %and3A_217 = arith.andi %get3A_216, %broadcast_in_dim3A_10 : vector<16xi32>
      %gather3A_218 = tpu.vector_load_idx %arg5[%and3A_217] : memref<10112xf32, #tpu.memory_space<vmem>>[vector<16xi32>], vector<16xf32>,
      %add3A_219 = arith.addf %scan3A_140, %gather3A_218 : vector<16xf32>
      %shift_right_logical3A_220 = arith.constant 16 : i32
      %shift_right_logical3A_221 = vector.broadcast %shift_right_logical3A_220 : i32 to vector<16xi32>
      %shift_right_logical3A_222 = arith.shrui %get3A_216, %shift_right_logical3A_221 : vector<16xi32>
      %gather3A_223 = tpu.vector_load_idx %arg5[%shift_right_logical3A_222] : memref<10112xf32, #tpu.memory_space<vmem>>[vector<16xi32>], vector<16xf32>,
      %add3A_224 = arith.addf %add3A_219, %gather3A_223 : vector<16xf32>
      scf.yield %add3A_147, %add3A_158, %add3A_169, %add3A_180, %add3A_191, %add3A_202, %add3A_213, %add3A_224 : vector<16xf32>, vector<16xf32>, vector<16xf32>, vector<16xf32>, vector<16xf32>, vector<16xf32>, vector<16xf32>, vector<16xf32>
    }
    %scan3A_24 = arith.constant 104 : i32
    %swap3A = arith.constant 0 : index
    %swap3A_25 = tpu.vector_load %arg8[%swap3A] {strides = array<i32>} : memref<512xf32, #tpu.memory_space<vmem>>, vector<16xf32>,
    tpu.vector_store %arg8[%swap3A], %scan3A_23#0 {strides = array<i32>} : memref<512xf32, #tpu.memory_space<vmem>>, vector<16xf32>,
    %swap3A_26 = arith.constant 16 : index
    %swap3A_27 = tpu.vector_load %arg8[%swap3A_26] {strides = array<i32>} : memref<512xf32, #tpu.memory_space<vmem>>, vector<16xf32>,
    tpu.vector_store %arg8[%swap3A_26], %scan3A_23#1 {strides = array<i32>} : memref<512xf32, #tpu.memory_space<vmem>>, vector<16xf32>,
    %swap3A_28 = arith.constant 32 : index
    %swap3A_29 = tpu.vector_load %arg8[%swap3A_28] {strides = array<i32>} : memref<512xf32, #tpu.memory_space<vmem>>, vector<16xf32>,
    tpu.vector_store %arg8[%swap3A_28], %scan3A_23#2 {strides = array<i32>} : memref<512xf32, #tpu.memory_space<vmem>>, vector<16xf32>,
    %swap3A_30 = arith.constant 48 : index
    %swap3A_31 = tpu.vector_load %arg8[%swap3A_30] {strides = array<i32>} : memref<512xf32, #tpu.memory_space<vmem>>, vector<16xf32>,
    tpu.vector_store %arg8[%swap3A_30], %scan3A_23#3 {strides = array<i32>} : memref<512xf32, #tpu.memory_space<vmem>>, vector<16xf32>,
    %swap3A_32 = arith.constant 64 : index
    %swap3A_33 = tpu.vector_load %arg8[%swap3A_32] {strides = array<i32>} : memref<512xf32, #tpu.memory_space<vmem>>, vector<16xf32>,
    tpu.vector_store %arg8[%swap3A_32], %scan3A_23#4 {strides = array<i32>} : memref<512xf32, #tpu.memory_space<vmem>>, vector<16xf32>,
    %swap3A_34 = arith.constant 80 : index
    %swap3A_35 = tpu.vector_load %arg8[%swap3A_34] {strides = array<i32>} : memref<512xf32, #tpu.memory_space<vmem>>, vector<16xf32>,
    tpu.vector_store %arg8[%swap3A_34], %scan3A_23#5 {strides = array<i32>} : memref<512xf32, #tpu.memory_space<vmem>>, vector<16xf32>,
    %swap3A_36 = arith.constant 96 : index
    %swap3A_37 = tpu.vector_load %arg8[%swap3A_36] {strides = array<i32>} : memref<512xf32, #tpu.memory_space<vmem>>, vector<16xf32>,
    tpu.vector_store %arg8[%swap3A_36], %scan3A_23#6 {strides = array<i32>} : memref<512xf32, #tpu.memory_space<vmem>>, vector<16xf32>,
    %swap3A_38 = arith.constant 112 : index
    %swap3A_39 = tpu.vector_load %arg8[%swap3A_38] {strides = array<i32>} : memref<512xf32, #tpu.memory_space<vmem>>, vector<16xf32>,
    tpu.vector_store %arg8[%swap3A_38], %scan3A_23#7 {strides = array<i32>} : memref<512xf32, #tpu.memory_space<vmem>>, vector<16xf32>,
    %add3A_40 = arith.constant 208 : i32
    %add3A_41 = arith.addi %mul3A_2, %add3A_40 : i32
    %dma_start3A_42 = arith.constant 0 : i32
    %dma_start3A_43 = tpu.memref_slice %arg3[%add3A_41, %dma_start3A_42] : memref<13312x128xi32, #tpu.memory_space<hbm>> -> memref<104x128xi32, #tpu.memory_space<hbm>>
    %dma_start3A_44 = arith.constant 0 : i32
    %dma_start3A_45 = tpu.memref_slice %arg3[%add3A_41, %dma_start3A_44] : memref<13312x128xi32, #tpu.memory_space<hbm>> -> memref<104x128xi32, #tpu.memory_space<hbm>>
    tpu.enqueue_dma source(%dma_start3A_45 : memref<104x128xi32, #tpu.memory_space<hbm>>) target(%arg6 : memref<104x128xi32, #tpu.memory_space<vmem>>) target_semaphore(%arg9 : memref<!tpu.dma_semaphore, #tpu.memory_space<semaphore_mem>>)
    %dma_wait3A_46 = arith.constant 0 : i32
    %dma_wait3A_47 = tpu.memref_slice %arg3[%add3A_12, %dma_wait3A_46] : memref<13312x128xi32, #tpu.memory_space<hbm>> -> memref<104x128xi32, #tpu.memory_space<hbm>>
    %dma_wait3A_48 = arith.constant 0 : i32
    %dma_wait3A_49 = tpu.memref_slice %arg3[%add3A_12, %dma_wait3A_48] : memref<13312x128xi32, #tpu.memory_space<hbm>> -> memref<104x128xi32, #tpu.memory_space<hbm>>
    tpu.wait_dma2 semaphore(%arg10 : memref<!tpu.dma_semaphore, #tpu.memory_space<semaphore_mem>>) src(%dma_wait3A_49 : memref<104x128xi32, #tpu.memory_space<hbm>>) dst(%arg7 : memref<104x128xi32, #tpu.memory_space<vmem>>)
    %scan3A_50 = arith.constant 0 : i32
    %scan3A_51 = arith.constant 104 : i32
    %scan3A_52 = arith.addi %scan3A_50, %scan3A_51 : i32
    %scan3A_53 = arith.constant 1 : i32
    %scan3A_54:8 = scf.for %scan3A_132 = %scan3A_50 to %scan3A_52 step %scan3A_53 iter_args(%scan3A_133 = %broadcast_in_dim3A_8, %scan3A_134 = %broadcast_in_dim3A_8, %scan3A_135 = %broadcast_in_dim3A_8, %scan3A_136 = %broadcast_in_dim3A_8, %scan3A_137 = %broadcast_in_dim3A_8, %scan3A_138 = %broadcast_in_dim3A_8, %scan3A_139 = %broadcast_in_dim3A_8, %scan3A_140 = %broadcast_in_dim3A_8) -> (vector<16xf32>, vector<16xf32>, vector<16xf32>, vector<16xf32>, vector<16xf32>, vector<16xf32>, vector<16xf32>, vector<16xf32>)  : i32 {
      %get3A = arith.index_cast %scan3A_132 : i32 to index
      %get3A_141 = arith.constant 0 : index
      %get3A_142 = tpu.vector_load %arg7[%get3A, %get3A_141] {strides = array<i32>} : memref<104x128xi32, #tpu.memory_space<vmem>>, vector<16xi32>,
      %and3A = arith.andi %get3A_142, %broadcast_in_dim3A_10 : vector<16xi32>
      %gather3A = tpu.vector_load_idx %arg5[%and3A] : memref<10112xf32, #tpu.memory_space<vmem>>[vector<16xi32>], vector<16xf32>,
      %add3A_143 = arith.addf %scan3A_133, %gather3A : vector<16xf32>
      %shift_right_logical3A = arith.constant 16 : i32
      %shift_right_logical3A_144 = vector.broadcast %shift_right_logical3A : i32 to vector<16xi32>
      %shift_right_logical3A_145 = arith.shrui %get3A_142, %shift_right_logical3A_144 : vector<16xi32>
      %gather3A_146 = tpu.vector_load_idx %arg5[%shift_right_logical3A_145] : memref<10112xf32, #tpu.memory_space<vmem>>[vector<16xi32>], vector<16xf32>,
      %add3A_147 = arith.addf %add3A_143, %gather3A_146 : vector<16xf32>
      %get3A_148 = arith.index_cast %scan3A_132 : i32 to index
      %get3A_149 = arith.constant 16 : index
      %get3A_150 = tpu.vector_load %arg7[%get3A_148, %get3A_149] {strides = array<i32>} : memref<104x128xi32, #tpu.memory_space<vmem>>, vector<16xi32>,
      %and3A_151 = arith.andi %get3A_150, %broadcast_in_dim3A_10 : vector<16xi32>
      %gather3A_152 = tpu.vector_load_idx %arg5[%and3A_151] : memref<10112xf32, #tpu.memory_space<vmem>>[vector<16xi32>], vector<16xf32>,
      %add3A_153 = arith.addf %scan3A_134, %gather3A_152 : vector<16xf32>
      %shift_right_logical3A_154 = arith.constant 16 : i32
      %shift_right_logical3A_155 = vector.broadcast %shift_right_logical3A_154 : i32 to vector<16xi32>
      %shift_right_logical3A_156 = arith.shrui %get3A_150, %shift_right_logical3A_155 : vector<16xi32>
      %gather3A_157 = tpu.vector_load_idx %arg5[%shift_right_logical3A_156] : memref<10112xf32, #tpu.memory_space<vmem>>[vector<16xi32>], vector<16xf32>,
      %add3A_158 = arith.addf %add3A_153, %gather3A_157 : vector<16xf32>
      %get3A_159 = arith.index_cast %scan3A_132 : i32 to index
      %get3A_160 = arith.constant 32 : index
      %get3A_161 = tpu.vector_load %arg7[%get3A_159, %get3A_160] {strides = array<i32>} : memref<104x128xi32, #tpu.memory_space<vmem>>, vector<16xi32>,
      %and3A_162 = arith.andi %get3A_161, %broadcast_in_dim3A_10 : vector<16xi32>
      %gather3A_163 = tpu.vector_load_idx %arg5[%and3A_162] : memref<10112xf32, #tpu.memory_space<vmem>>[vector<16xi32>], vector<16xf32>,
      %add3A_164 = arith.addf %scan3A_135, %gather3A_163 : vector<16xf32>
      %shift_right_logical3A_165 = arith.constant 16 : i32
      %shift_right_logical3A_166 = vector.broadcast %shift_right_logical3A_165 : i32 to vector<16xi32>
      %shift_right_logical3A_167 = arith.shrui %get3A_161, %shift_right_logical3A_166 : vector<16xi32>
      %gather3A_168 = tpu.vector_load_idx %arg5[%shift_right_logical3A_167] : memref<10112xf32, #tpu.memory_space<vmem>>[vector<16xi32>], vector<16xf32>,
      %add3A_169 = arith.addf %add3A_164, %gather3A_168 : vector<16xf32>
      %get3A_170 = arith.index_cast %scan3A_132 : i32 to index
      %get3A_171 = arith.constant 48 : index
      %get3A_172 = tpu.vector_load %arg7[%get3A_170, %get3A_171] {strides = array<i32>} : memref<104x128xi32, #tpu.memory_space<vmem>>, vector<16xi32>,
      %and3A_173 = arith.andi %get3A_172, %broadcast_in_dim3A_10 : vector<16xi32>
      %gather3A_174 = tpu.vector_load_idx %arg5[%and3A_173] : memref<10112xf32, #tpu.memory_space<vmem>>[vector<16xi32>], vector<16xf32>,
      %add3A_175 = arith.addf %scan3A_136, %gather3A_174 : vector<16xf32>
      %shift_right_logical3A_176 = arith.constant 16 : i32
      %shift_right_logical3A_177 = vector.broadcast %shift_right_logical3A_176 : i32 to vector<16xi32>
      %shift_right_logical3A_178 = arith.shrui %get3A_172, %shift_right_logical3A_177 : vector<16xi32>
      %gather3A_179 = tpu.vector_load_idx %arg5[%shift_right_logical3A_178] : memref<10112xf32, #tpu.memory_space<vmem>>[vector<16xi32>], vector<16xf32>,
      %add3A_180 = arith.addf %add3A_175, %gather3A_179 : vector<16xf32>
      %get3A_181 = arith.index_cast %scan3A_132 : i32 to index
      %get3A_182 = arith.constant 64 : index
      %get3A_183 = tpu.vector_load %arg7[%get3A_181, %get3A_182] {strides = array<i32>} : memref<104x128xi32, #tpu.memory_space<vmem>>, vector<16xi32>,
      %and3A_184 = arith.andi %get3A_183, %broadcast_in_dim3A_10 : vector<16xi32>
      %gather3A_185 = tpu.vector_load_idx %arg5[%and3A_184] : memref<10112xf32, #tpu.memory_space<vmem>>[vector<16xi32>], vector<16xf32>,
      %add3A_186 = arith.addf %scan3A_137, %gather3A_185 : vector<16xf32>
      %shift_right_logical3A_187 = arith.constant 16 : i32
      %shift_right_logical3A_188 = vector.broadcast %shift_right_logical3A_187 : i32 to vector<16xi32>
      %shift_right_logical3A_189 = arith.shrui %get3A_183, %shift_right_logical3A_188 : vector<16xi32>
      %gather3A_190 = tpu.vector_load_idx %arg5[%shift_right_logical3A_189] : memref<10112xf32, #tpu.memory_space<vmem>>[vector<16xi32>], vector<16xf32>,
      %add3A_191 = arith.addf %add3A_186, %gather3A_190 : vector<16xf32>
      %get3A_192 = arith.index_cast %scan3A_132 : i32 to index
      %get3A_193 = arith.constant 80 : index
      %get3A_194 = tpu.vector_load %arg7[%get3A_192, %get3A_193] {strides = array<i32>} : memref<104x128xi32, #tpu.memory_space<vmem>>, vector<16xi32>,
      %and3A_195 = arith.andi %get3A_194, %broadcast_in_dim3A_10 : vector<16xi32>
      %gather3A_196 = tpu.vector_load_idx %arg5[%and3A_195] : memref<10112xf32, #tpu.memory_space<vmem>>[vector<16xi32>], vector<16xf32>,
      %add3A_197 = arith.addf %scan3A_138, %gather3A_196 : vector<16xf32>
      %shift_right_logical3A_198 = arith.constant 16 : i32
      %shift_right_logical3A_199 = vector.broadcast %shift_right_logical3A_198 : i32 to vector<16xi32>
      %shift_right_logical3A_200 = arith.shrui %get3A_194, %shift_right_logical3A_199 : vector<16xi32>
      %gather3A_201 = tpu.vector_load_idx %arg5[%shift_right_logical3A_200] : memref<10112xf32, #tpu.memory_space<vmem>>[vector<16xi32>], vector<16xf32>,
      %add3A_202 = arith.addf %add3A_197, %gather3A_201 : vector<16xf32>
      %get3A_203 = arith.index_cast %scan3A_132 : i32 to index
      %get3A_204 = arith.constant 96 : index
      %get3A_205 = tpu.vector_load %arg7[%get3A_203, %get3A_204] {strides = array<i32>} : memref<104x128xi32, #tpu.memory_space<vmem>>, vector<16xi32>,
      %and3A_206 = arith.andi %get3A_205, %broadcast_in_dim3A_10 : vector<16xi32>
      %gather3A_207 = tpu.vector_load_idx %arg5[%and3A_206] : memref<10112xf32, #tpu.memory_space<vmem>>[vector<16xi32>], vector<16xf32>,
      %add3A_208 = arith.addf %scan3A_139, %gather3A_207 : vector<16xf32>
      %shift_right_logical3A_209 = arith.constant 16 : i32
      %shift_right_logical3A_210 = vector.broadcast %shift_right_logical3A_209 : i32 to vector<16xi32>
      %shift_right_logical3A_211 = arith.shrui %get3A_205, %shift_right_logical3A_210 : vector<16xi32>
      %gather3A_212 = tpu.vector_load_idx %arg5[%shift_right_logical3A_211] : memref<10112xf32, #tpu.memory_space<vmem>>[vector<16xi32>], vector<16xf32>,
      %add3A_213 = arith.addf %add3A_208, %gather3A_212 : vector<16xf32>
      %get3A_214 = arith.index_cast %scan3A_132 : i32 to index
      %get3A_215 = arith.constant 112 : index
      %get3A_216 = tpu.vector_load %arg7[%get3A_214, %get3A_215] {strides = array<i32>} : memref<104x128xi32, #tpu.memory_space<vmem>>, vector<16xi32>,
      %and3A_217 = arith.andi %get3A_216, %broadcast_in_dim3A_10 : vector<16xi32>
      %gather3A_218 = tpu.vector_load_idx %arg5[%and3A_217] : memref<10112xf32, #tpu.memory_space<vmem>>[vector<16xi32>], vector<16xf32>,
      %add3A_219 = arith.addf %scan3A_140, %gather3A_218 : vector<16xf32>
      %shift_right_logical3A_220 = arith.constant 16 : i32
      %shift_right_logical3A_221 = vector.broadcast %shift_right_logical3A_220 : i32 to vector<16xi32>
      %shift_right_logical3A_222 = arith.shrui %get3A_216, %shift_right_logical3A_221 : vector<16xi32>
      %gather3A_223 = tpu.vector_load_idx %arg5[%shift_right_logical3A_222] : memref<10112xf32, #tpu.memory_space<vmem>>[vector<16xi32>], vector<16xf32>,
      %add3A_224 = arith.addf %add3A_219, %gather3A_223 : vector<16xf32>
      scf.yield %add3A_147, %add3A_158, %add3A_169, %add3A_180, %add3A_191, %add3A_202, %add3A_213, %add3A_224 : vector<16xf32>, vector<16xf32>, vector<16xf32>, vector<16xf32>, vector<16xf32>, vector<16xf32>, vector<16xf32>, vector<16xf32>
    }
    %scan3A_55 = arith.constant 104 : i32
    %swap3A_56 = arith.constant 128 : index
    %swap3A_57 = tpu.vector_load %arg8[%swap3A_56] {strides = array<i32>} : memref<512xf32, #tpu.memory_space<vmem>>, vector<16xf32>,
    tpu.vector_store %arg8[%swap3A_56], %scan3A_54#0 {strides = array<i32>} : memref<512xf32, #tpu.memory_space<vmem>>, vector<16xf32>,
    %swap3A_58 = arith.constant 144 : index
    %swap3A_59 = tpu.vector_load %arg8[%swap3A_58] {strides = array<i32>} : memref<512xf32, #tpu.memory_space<vmem>>, vector<16xf32>,
    tpu.vector_store %arg8[%swap3A_58], %scan3A_54#1 {strides = array<i32>} : memref<512xf32, #tpu.memory_space<vmem>>, vector<16xf32>,
    %swap3A_60 = arith.constant 160 : index
    %swap3A_61 = tpu.vector_load %arg8[%swap3A_60] {strides = array<i32>} : memref<512xf32, #tpu.memory_space<vmem>>, vector<16xf32>,
    tpu.vector_store %arg8[%swap3A_60], %scan3A_54#2 {strides = array<i32>} : memref<512xf32, #tpu.memory_space<vmem>>, vector<16xf32>,
    %swap3A_62 = arith.constant 176 : index
    %swap3A_63 = tpu.vector_load %arg8[%swap3A_62] {strides = array<i32>} : memref<512xf32, #tpu.memory_space<vmem>>, vector<16xf32>,
    tpu.vector_store %arg8[%swap3A_62], %scan3A_54#3 {strides = array<i32>} : memref<512xf32, #tpu.memory_space<vmem>>, vector<16xf32>,
    %swap3A_64 = arith.constant 192 : index
    %swap3A_65 = tpu.vector_load %arg8[%swap3A_64] {strides = array<i32>} : memref<512xf32, #tpu.memory_space<vmem>>, vector<16xf32>,
    tpu.vector_store %arg8[%swap3A_64], %scan3A_54#4 {strides = array<i32>} : memref<512xf32, #tpu.memory_space<vmem>>, vector<16xf32>,
    %swap3A_66 = arith.constant 208 : index
    %swap3A_67 = tpu.vector_load %arg8[%swap3A_66] {strides = array<i32>} : memref<512xf32, #tpu.memory_space<vmem>>, vector<16xf32>,
    tpu.vector_store %arg8[%swap3A_66], %scan3A_54#5 {strides = array<i32>} : memref<512xf32, #tpu.memory_space<vmem>>, vector<16xf32>,
    %swap3A_68 = arith.constant 224 : index
    %swap3A_69 = tpu.vector_load %arg8[%swap3A_68] {strides = array<i32>} : memref<512xf32, #tpu.memory_space<vmem>>, vector<16xf32>,
    tpu.vector_store %arg8[%swap3A_68], %scan3A_54#6 {strides = array<i32>} : memref<512xf32, #tpu.memory_space<vmem>>, vector<16xf32>,
    %swap3A_70 = arith.constant 240 : index
    %swap3A_71 = tpu.vector_load %arg8[%swap3A_70] {strides = array<i32>} : memref<512xf32, #tpu.memory_space<vmem>>, vector<16xf32>,
    tpu.vector_store %arg8[%swap3A_70], %scan3A_54#7 {strides = array<i32>} : memref<512xf32, #tpu.memory_space<vmem>>, vector<16xf32>,
    %add3A_72 = arith.constant 312 : i32
    %add3A_73 = arith.addi %mul3A_2, %add3A_72 : i32
    %dma_start3A_74 = arith.constant 0 : i32
    %dma_start3A_75 = tpu.memref_slice %arg3[%add3A_73, %dma_start3A_74] : memref<13312x128xi32, #tpu.memory_space<hbm>> -> memref<104x128xi32, #tpu.memory_space<hbm>>
    %dma_start3A_76 = arith.constant 0 : i32
    %dma_start3A_77 = tpu.memref_slice %arg3[%add3A_73, %dma_start3A_76] : memref<13312x128xi32, #tpu.memory_space<hbm>> -> memref<104x128xi32, #tpu.memory_space<hbm>>
    tpu.enqueue_dma source(%dma_start3A_77 : memref<104x128xi32, #tpu.memory_space<hbm>>) target(%arg7 : memref<104x128xi32, #tpu.memory_space<vmem>>) target_semaphore(%arg10 : memref<!tpu.dma_semaphore, #tpu.memory_space<semaphore_mem>>)
    %dma_wait3A_78 = arith.constant 0 : i32
    %dma_wait3A_79 = tpu.memref_slice %arg3[%add3A_41, %dma_wait3A_78] : memref<13312x128xi32, #tpu.memory_space<hbm>> -> memref<104x128xi32, #tpu.memory_space<hbm>>
    %dma_wait3A_80 = arith.constant 0 : i32
    %dma_wait3A_81 = tpu.memref_slice %arg3[%add3A_41, %dma_wait3A_80] : memref<13312x128xi32, #tpu.memory_space<hbm>> -> memref<104x128xi32, #tpu.memory_space<hbm>>
    tpu.wait_dma2 semaphore(%arg9 : memref<!tpu.dma_semaphore, #tpu.memory_space<semaphore_mem>>) src(%dma_wait3A_81 : memref<104x128xi32, #tpu.memory_space<hbm>>) dst(%arg6 : memref<104x128xi32, #tpu.memory_space<vmem>>)
    %scan3A_82 = arith.constant 0 : i32
    %scan3A_83 = arith.constant 104 : i32
    %scan3A_84 = arith.addi %scan3A_82, %scan3A_83 : i32
    %scan3A_85 = arith.constant 1 : i32
    %scan3A_86:8 = scf.for %scan3A_132 = %scan3A_82 to %scan3A_84 step %scan3A_85 iter_args(%scan3A_133 = %broadcast_in_dim3A_8, %scan3A_134 = %broadcast_in_dim3A_8, %scan3A_135 = %broadcast_in_dim3A_8, %scan3A_136 = %broadcast_in_dim3A_8, %scan3A_137 = %broadcast_in_dim3A_8, %scan3A_138 = %broadcast_in_dim3A_8, %scan3A_139 = %broadcast_in_dim3A_8, %scan3A_140 = %broadcast_in_dim3A_8) -> (vector<16xf32>, vector<16xf32>, vector<16xf32>, vector<16xf32>, vector<16xf32>, vector<16xf32>, vector<16xf32>, vector<16xf32>)  : i32 {
      %get3A = arith.index_cast %scan3A_132 : i32 to index
      %get3A_141 = arith.constant 0 : index
      %get3A_142 = tpu.vector_load %arg6[%get3A, %get3A_141] {strides = array<i32>} : memref<104x128xi32, #tpu.memory_space<vmem>>, vector<16xi32>,
      %and3A = arith.andi %get3A_142, %broadcast_in_dim3A_10 : vector<16xi32>
      %gather3A = tpu.vector_load_idx %arg5[%and3A] : memref<10112xf32, #tpu.memory_space<vmem>>[vector<16xi32>], vector<16xf32>,
      %add3A_143 = arith.addf %scan3A_133, %gather3A : vector<16xf32>
      %shift_right_logical3A = arith.constant 16 : i32
      %shift_right_logical3A_144 = vector.broadcast %shift_right_logical3A : i32 to vector<16xi32>
      %shift_right_logical3A_145 = arith.shrui %get3A_142, %shift_right_logical3A_144 : vector<16xi32>
      %gather3A_146 = tpu.vector_load_idx %arg5[%shift_right_logical3A_145] : memref<10112xf32, #tpu.memory_space<vmem>>[vector<16xi32>], vector<16xf32>,
      %add3A_147 = arith.addf %add3A_143, %gather3A_146 : vector<16xf32>
      %get3A_148 = arith.index_cast %scan3A_132 : i32 to index
      %get3A_149 = arith.constant 16 : index
      %get3A_150 = tpu.vector_load %arg6[%get3A_148, %get3A_149] {strides = array<i32>} : memref<104x128xi32, #tpu.memory_space<vmem>>, vector<16xi32>,
      %and3A_151 = arith.andi %get3A_150, %broadcast_in_dim3A_10 : vector<16xi32>
      %gather3A_152 = tpu.vector_load_idx %arg5[%and3A_151] : memref<10112xf32, #tpu.memory_space<vmem>>[vector<16xi32>], vector<16xf32>,
      %add3A_153 = arith.addf %scan3A_134, %gather3A_152 : vector<16xf32>
      %shift_right_logical3A_154 = arith.constant 16 : i32
      %shift_right_logical3A_155 = vector.broadcast %shift_right_logical3A_154 : i32 to vector<16xi32>
      %shift_right_logical3A_156 = arith.shrui %get3A_150, %shift_right_logical3A_155 : vector<16xi32>
      %gather3A_157 = tpu.vector_load_idx %arg5[%shift_right_logical3A_156] : memref<10112xf32, #tpu.memory_space<vmem>>[vector<16xi32>], vector<16xf32>,
      %add3A_158 = arith.addf %add3A_153, %gather3A_157 : vector<16xf32>
      %get3A_159 = arith.index_cast %scan3A_132 : i32 to index
      %get3A_160 = arith.constant 32 : index
      %get3A_161 = tpu.vector_load %arg6[%get3A_159, %get3A_160] {strides = array<i32>} : memref<104x128xi32, #tpu.memory_space<vmem>>, vector<16xi32>,
      %and3A_162 = arith.andi %get3A_161, %broadcast_in_dim3A_10 : vector<16xi32>
      %gather3A_163 = tpu.vector_load_idx %arg5[%and3A_162] : memref<10112xf32, #tpu.memory_space<vmem>>[vector<16xi32>], vector<16xf32>,
      %add3A_164 = arith.addf %scan3A_135, %gather3A_163 : vector<16xf32>
      %shift_right_logical3A_165 = arith.constant 16 : i32
      %shift_right_logical3A_166 = vector.broadcast %shift_right_logical3A_165 : i32 to vector<16xi32>
      %shift_right_logical3A_167 = arith.shrui %get3A_161, %shift_right_logical3A_166 : vector<16xi32>
      %gather3A_168 = tpu.vector_load_idx %arg5[%shift_right_logical3A_167] : memref<10112xf32, #tpu.memory_space<vmem>>[vector<16xi32>], vector<16xf32>,
      %add3A_169 = arith.addf %add3A_164, %gather3A_168 : vector<16xf32>
      %get3A_170 = arith.index_cast %scan3A_132 : i32 to index
      %get3A_171 = arith.constant 48 : index
      %get3A_172 = tpu.vector_load %arg6[%get3A_170, %get3A_171] {strides = array<i32>} : memref<104x128xi32, #tpu.memory_space<vmem>>, vector<16xi32>,
      %and3A_173 = arith.andi %get3A_172, %broadcast_in_dim3A_10 : vector<16xi32>
      %gather3A_174 = tpu.vector_load_idx %arg5[%and3A_173] : memref<10112xf32, #tpu.memory_space<vmem>>[vector<16xi32>], vector<16xf32>,
      %add3A_175 = arith.addf %scan3A_136, %gather3A_174 : vector<16xf32>
      %shift_right_logical3A_176 = arith.constant 16 : i32
      %shift_right_logical3A_177 = vector.broadcast %shift_right_logical3A_176 : i32 to vector<16xi32>
      %shift_right_logical3A_178 = arith.shrui %get3A_172, %shift_right_logical3A_177 : vector<16xi32>
      %gather3A_179 = tpu.vector_load_idx %arg5[%shift_right_logical3A_178] : memref<10112xf32, #tpu.memory_space<vmem>>[vector<16xi32>], vector<16xf32>,
      %add3A_180 = arith.addf %add3A_175, %gather3A_179 : vector<16xf32>
      %get3A_181 = arith.index_cast %scan3A_132 : i32 to index
      %get3A_182 = arith.constant 64 : index
      %get3A_183 = tpu.vector_load %arg6[%get3A_181, %get3A_182] {strides = array<i32>} : memref<104x128xi32, #tpu.memory_space<vmem>>, vector<16xi32>,
      %and3A_184 = arith.andi %get3A_183, %broadcast_in_dim3A_10 : vector<16xi32>
      %gather3A_185 = tpu.vector_load_idx %arg5[%and3A_184] : memref<10112xf32, #tpu.memory_space<vmem>>[vector<16xi32>], vector<16xf32>,
      %add3A_186 = arith.addf %scan3A_137, %gather3A_185 : vector<16xf32>
      %shift_right_logical3A_187 = arith.constant 16 : i32
      %shift_right_logical3A_188 = vector.broadcast %shift_right_logical3A_187 : i32 to vector<16xi32>
      %shift_right_logical3A_189 = arith.shrui %get3A_183, %shift_right_logical3A_188 : vector<16xi32>
      %gather3A_190 = tpu.vector_load_idx %arg5[%shift_right_logical3A_189] : memref<10112xf32, #tpu.memory_space<vmem>>[vector<16xi32>], vector<16xf32>,
      %add3A_191 = arith.addf %add3A_186, %gather3A_190 : vector<16xf32>
      %get3A_192 = arith.index_cast %scan3A_132 : i32 to index
      %get3A_193 = arith.constant 80 : index
      %get3A_194 = tpu.vector_load %arg6[%get3A_192, %get3A_193] {strides = array<i32>} : memref<104x128xi32, #tpu.memory_space<vmem>>, vector<16xi32>,
      %and3A_195 = arith.andi %get3A_194, %broadcast_in_dim3A_10 : vector<16xi32>
      %gather3A_196 = tpu.vector_load_idx %arg5[%and3A_195] : memref<10112xf32, #tpu.memory_space<vmem>>[vector<16xi32>], vector<16xf32>,
      %add3A_197 = arith.addf %scan3A_138, %gather3A_196 : vector<16xf32>
      %shift_right_logical3A_198 = arith.constant 16 : i32
      %shift_right_logical3A_199 = vector.broadcast %shift_right_logical3A_198 : i32 to vector<16xi32>
      %shift_right_logical3A_200 = arith.shrui %get3A_194, %shift_right_logical3A_199 : vector<16xi32>
      %gather3A_201 = tpu.vector_load_idx %arg5[%shift_right_logical3A_200] : memref<10112xf32, #tpu.memory_space<vmem>>[vector<16xi32>], vector<16xf32>,
      %add3A_202 = arith.addf %add3A_197, %gather3A_201 : vector<16xf32>
      %get3A_203 = arith.index_cast %scan3A_132 : i32 to index
      %get3A_204 = arith.constant 96 : index
      %get3A_205 = tpu.vector_load %arg6[%get3A_203, %get3A_204] {strides = array<i32>} : memref<104x128xi32, #tpu.memory_space<vmem>>, vector<16xi32>,
      %and3A_206 = arith.andi %get3A_205, %broadcast_in_dim3A_10 : vector<16xi32>
      %gather3A_207 = tpu.vector_load_idx %arg5[%and3A_206] : memref<10112xf32, #tpu.memory_space<vmem>>[vector<16xi32>], vector<16xf32>,
      %add3A_208 = arith.addf %scan3A_139, %gather3A_207 : vector<16xf32>
      %shift_right_logical3A_209 = arith.constant 16 : i32
      %shift_right_logical3A_210 = vector.broadcast %shift_right_logical3A_209 : i32 to vector<16xi32>
      %shift_right_logical3A_211 = arith.shrui %get3A_205, %shift_right_logical3A_210 : vector<16xi32>
      %gather3A_212 = tpu.vector_load_idx %arg5[%shift_right_logical3A_211] : memref<10112xf32, #tpu.memory_space<vmem>>[vector<16xi32>], vector<16xf32>,
      %add3A_213 = arith.addf %add3A_208, %gather3A_212 : vector<16xf32>
      %get3A_214 = arith.index_cast %scan3A_132 : i32 to index
      %get3A_215 = arith.constant 112 : index
      %get3A_216 = tpu.vector_load %arg6[%get3A_214, %get3A_215] {strides = array<i32>} : memref<104x128xi32, #tpu.memory_space<vmem>>, vector<16xi32>,
      %and3A_217 = arith.andi %get3A_216, %broadcast_in_dim3A_10 : vector<16xi32>
      %gather3A_218 = tpu.vector_load_idx %arg5[%and3A_217] : memref<10112xf32, #tpu.memory_space<vmem>>[vector<16xi32>], vector<16xf32>,
      %add3A_219 = arith.addf %scan3A_140, %gather3A_218 : vector<16xf32>
      %shift_right_logical3A_220 = arith.constant 16 : i32
      %shift_right_logical3A_221 = vector.broadcast %shift_right_logical3A_220 : i32 to vector<16xi32>
      %shift_right_logical3A_222 = arith.shrui %get3A_216, %shift_right_logical3A_221 : vector<16xi32>
      %gather3A_223 = tpu.vector_load_idx %arg5[%shift_right_logical3A_222] : memref<10112xf32, #tpu.memory_space<vmem>>[vector<16xi32>], vector<16xf32>,
      %add3A_224 = arith.addf %add3A_219, %gather3A_223 : vector<16xf32>
      scf.yield %add3A_147, %add3A_158, %add3A_169, %add3A_180, %add3A_191, %add3A_202, %add3A_213, %add3A_224 : vector<16xf32>, vector<16xf32>, vector<16xf32>, vector<16xf32>, vector<16xf32>, vector<16xf32>, vector<16xf32>, vector<16xf32>
    }
    %scan3A_87 = arith.constant 104 : i32
    %swap3A_88 = arith.constant 256 : index
    %swap3A_89 = tpu.vector_load %arg8[%swap3A_88] {strides = array<i32>} : memref<512xf32, #tpu.memory_space<vmem>>, vector<16xf32>,
    tpu.vector_store %arg8[%swap3A_88], %scan3A_86#0 {strides = array<i32>} : memref<512xf32, #tpu.memory_space<vmem>>, vector<16xf32>,
    %swap3A_90 = arith.constant 272 : index
    %swap3A_91 = tpu.vector_load %arg8[%swap3A_90] {strides = array<i32>} : memref<512xf32, #tpu.memory_space<vmem>>, vector<16xf32>,
    tpu.vector_store %arg8[%swap3A_90], %scan3A_86#1 {strides = array<i32>} : memref<512xf32, #tpu.memory_space<vmem>>, vector<16xf32>,
    %swap3A_92 = arith.constant 288 : index
    %swap3A_93 = tpu.vector_load %arg8[%swap3A_92] {strides = array<i32>} : memref<512xf32, #tpu.memory_space<vmem>>, vector<16xf32>,
    tpu.vector_store %arg8[%swap3A_92], %scan3A_86#2 {strides = array<i32>} : memref<512xf32, #tpu.memory_space<vmem>>, vector<16xf32>,
    %swap3A_94 = arith.constant 304 : index
    %swap3A_95 = tpu.vector_load %arg8[%swap3A_94] {strides = array<i32>} : memref<512xf32, #tpu.memory_space<vmem>>, vector<16xf32>,
    tpu.vector_store %arg8[%swap3A_94], %scan3A_86#3 {strides = array<i32>} : memref<512xf32, #tpu.memory_space<vmem>>, vector<16xf32>,
    %swap3A_96 = arith.constant 320 : index
    %swap3A_97 = tpu.vector_load %arg8[%swap3A_96] {strides = array<i32>} : memref<512xf32, #tpu.memory_space<vmem>>, vector<16xf32>,
    tpu.vector_store %arg8[%swap3A_96], %scan3A_86#4 {strides = array<i32>} : memref<512xf32, #tpu.memory_space<vmem>>, vector<16xf32>,
    %swap3A_98 = arith.constant 336 : index
    %swap3A_99 = tpu.vector_load %arg8[%swap3A_98] {strides = array<i32>} : memref<512xf32, #tpu.memory_space<vmem>>, vector<16xf32>,
    tpu.vector_store %arg8[%swap3A_98], %scan3A_86#5 {strides = array<i32>} : memref<512xf32, #tpu.memory_space<vmem>>, vector<16xf32>,
    %swap3A_100 = arith.constant 352 : index
    %swap3A_101 = tpu.vector_load %arg8[%swap3A_100] {strides = array<i32>} : memref<512xf32, #tpu.memory_space<vmem>>, vector<16xf32>,
    tpu.vector_store %arg8[%swap3A_100], %scan3A_86#6 {strides = array<i32>} : memref<512xf32, #tpu.memory_space<vmem>>, vector<16xf32>,
    %swap3A_102 = arith.constant 368 : index
    %swap3A_103 = tpu.vector_load %arg8[%swap3A_102] {strides = array<i32>} : memref<512xf32, #tpu.memory_space<vmem>>, vector<16xf32>,
    tpu.vector_store %arg8[%swap3A_102], %scan3A_86#7 {strides = array<i32>} : memref<512xf32, #tpu.memory_space<vmem>>, vector<16xf32>,
    %dma_wait3A_104 = arith.constant 0 : i32
    %dma_wait3A_105 = tpu.memref_slice %arg3[%add3A_73, %dma_wait3A_104] : memref<13312x128xi32, #tpu.memory_space<hbm>> -> memref<104x128xi32, #tpu.memory_space<hbm>>
    %dma_wait3A_106 = arith.constant 0 : i32
    %dma_wait3A_107 = tpu.memref_slice %arg3[%add3A_73, %dma_wait3A_106] : memref<13312x128xi32, #tpu.memory_space<hbm>> -> memref<104x128xi32, #tpu.memory_space<hbm>>
    tpu.wait_dma2 semaphore(%arg10 : memref<!tpu.dma_semaphore, #tpu.memory_space<semaphore_mem>>) src(%dma_wait3A_107 : memref<104x128xi32, #tpu.memory_space<hbm>>) dst(%arg7 : memref<104x128xi32, #tpu.memory_space<vmem>>)
    %scan3A_108 = arith.constant 0 : i32
    %scan3A_109 = arith.constant 104 : i32
    %scan3A_110 = arith.addi %scan3A_108, %scan3A_109 : i32
    %scan3A_111 = arith.constant 1 : i32
    %scan3A_112:8 = scf.for %scan3A_132 = %scan3A_108 to %scan3A_110 step %scan3A_111 iter_args(%scan3A_133 = %broadcast_in_dim3A_8, %scan3A_134 = %broadcast_in_dim3A_8, %scan3A_135 = %broadcast_in_dim3A_8, %scan3A_136 = %broadcast_in_dim3A_8, %scan3A_137 = %broadcast_in_dim3A_8, %scan3A_138 = %broadcast_in_dim3A_8, %scan3A_139 = %broadcast_in_dim3A_8, %scan3A_140 = %broadcast_in_dim3A_8) -> (vector<16xf32>, vector<16xf32>, vector<16xf32>, vector<16xf32>, vector<16xf32>, vector<16xf32>, vector<16xf32>, vector<16xf32>)  : i32 {
      %get3A = arith.index_cast %scan3A_132 : i32 to index
      %get3A_141 = arith.constant 0 : index
      %get3A_142 = tpu.vector_load %arg7[%get3A, %get3A_141] {strides = array<i32>} : memref<104x128xi32, #tpu.memory_space<vmem>>, vector<16xi32>,
      %and3A = arith.andi %get3A_142, %broadcast_in_dim3A_10 : vector<16xi32>
      %gather3A = tpu.vector_load_idx %arg5[%and3A] : memref<10112xf32, #tpu.memory_space<vmem>>[vector<16xi32>], vector<16xf32>,
      %add3A_143 = arith.addf %scan3A_133, %gather3A : vector<16xf32>
      %shift_right_logical3A = arith.constant 16 : i32
      %shift_right_logical3A_144 = vector.broadcast %shift_right_logical3A : i32 to vector<16xi32>
      %shift_right_logical3A_145 = arith.shrui %get3A_142, %shift_right_logical3A_144 : vector<16xi32>
      %gather3A_146 = tpu.vector_load_idx %arg5[%shift_right_logical3A_145] : memref<10112xf32, #tpu.memory_space<vmem>>[vector<16xi32>], vector<16xf32>,
      %add3A_147 = arith.addf %add3A_143, %gather3A_146 : vector<16xf32>
      %get3A_148 = arith.index_cast %scan3A_132 : i32 to index
      %get3A_149 = arith.constant 16 : index
      %get3A_150 = tpu.vector_load %arg7[%get3A_148, %get3A_149] {strides = array<i32>} : memref<104x128xi32, #tpu.memory_space<vmem>>, vector<16xi32>,
      %and3A_151 = arith.andi %get3A_150, %broadcast_in_dim3A_10 : vector<16xi32>
      %gather3A_152 = tpu.vector_load_idx %arg5[%and3A_151] : memref<10112xf32, #tpu.memory_space<vmem>>[vector<16xi32>], vector<16xf32>,
      %add3A_153 = arith.addf %scan3A_134, %gather3A_152 : vector<16xf32>
      %shift_right_logical3A_154 = arith.constant 16 : i32
      %shift_right_logical3A_155 = vector.broadcast %shift_right_logical3A_154 : i32 to vector<16xi32>
      %shift_right_logical3A_156 = arith.shrui %get3A_150, %shift_right_logical3A_155 : vector<16xi32>
      %gather3A_157 = tpu.vector_load_idx %arg5[%shift_right_logical3A_156] : memref<10112xf32, #tpu.memory_space<vmem>>[vector<16xi32>], vector<16xf32>,
      %add3A_158 = arith.addf %add3A_153, %gather3A_157 : vector<16xf32>
      %get3A_159 = arith.index_cast %scan3A_132 : i32 to index
      %get3A_160 = arith.constant 32 : index
      %get3A_161 = tpu.vector_load %arg7[%get3A_159, %get3A_160] {strides = array<i32>} : memref<104x128xi32, #tpu.memory_space<vmem>>, vector<16xi32>,
      %and3A_162 = arith.andi %get3A_161, %broadcast_in_dim3A_10 : vector<16xi32>
      %gather3A_163 = tpu.vector_load_idx %arg5[%and3A_162] : memref<10112xf32, #tpu.memory_space<vmem>>[vector<16xi32>], vector<16xf32>,
      %add3A_164 = arith.addf %scan3A_135, %gather3A_163 : vector<16xf32>
      %shift_right_logical3A_165 = arith.constant 16 : i32
      %shift_right_logical3A_166 = vector.broadcast %shift_right_logical3A_165 : i32 to vector<16xi32>
      %shift_right_logical3A_167 = arith.shrui %get3A_161, %shift_right_logical3A_166 : vector<16xi32>
      %gather3A_168 = tpu.vector_load_idx %arg5[%shift_right_logical3A_167] : memref<10112xf32, #tpu.memory_space<vmem>>[vector<16xi32>], vector<16xf32>,
      %add3A_169 = arith.addf %add3A_164, %gather3A_168 : vector<16xf32>
      %get3A_170 = arith.index_cast %scan3A_132 : i32 to index
      %get3A_171 = arith.constant 48 : index
      %get3A_172 = tpu.vector_load %arg7[%get3A_170, %get3A_171] {strides = array<i32>} : memref<104x128xi32, #tpu.memory_space<vmem>>, vector<16xi32>,
      %and3A_173 = arith.andi %get3A_172, %broadcast_in_dim3A_10 : vector<16xi32>
      %gather3A_174 = tpu.vector_load_idx %arg5[%and3A_173] : memref<10112xf32, #tpu.memory_space<vmem>>[vector<16xi32>], vector<16xf32>,
      %add3A_175 = arith.addf %scan3A_136, %gather3A_174 : vector<16xf32>
      %shift_right_logical3A_176 = arith.constant 16 : i32
      %shift_right_logical3A_177 = vector.broadcast %shift_right_logical3A_176 : i32 to vector<16xi32>
      %shift_right_logical3A_178 = arith.shrui %get3A_172, %shift_right_logical3A_177 : vector<16xi32>
      %gather3A_179 = tpu.vector_load_idx %arg5[%shift_right_logical3A_178] : memref<10112xf32, #tpu.memory_space<vmem>>[vector<16xi32>], vector<16xf32>,
      %add3A_180 = arith.addf %add3A_175, %gather3A_179 : vector<16xf32>
      %get3A_181 = arith.index_cast %scan3A_132 : i32 to index
      %get3A_182 = arith.constant 64 : index
      %get3A_183 = tpu.vector_load %arg7[%get3A_181, %get3A_182] {strides = array<i32>} : memref<104x128xi32, #tpu.memory_space<vmem>>, vector<16xi32>,
      %and3A_184 = arith.andi %get3A_183, %broadcast_in_dim3A_10 : vector<16xi32>
      %gather3A_185 = tpu.vector_load_idx %arg5[%and3A_184] : memref<10112xf32, #tpu.memory_space<vmem>>[vector<16xi32>], vector<16xf32>,
      %add3A_186 = arith.addf %scan3A_137, %gather3A_185 : vector<16xf32>
      %shift_right_logical3A_187 = arith.constant 16 : i32
      %shift_right_logical3A_188 = vector.broadcast %shift_right_logical3A_187 : i32 to vector<16xi32>
      %shift_right_logical3A_189 = arith.shrui %get3A_183, %shift_right_logical3A_188 : vector<16xi32>
      %gather3A_190 = tpu.vector_load_idx %arg5[%shift_right_logical3A_189] : memref<10112xf32, #tpu.memory_space<vmem>>[vector<16xi32>], vector<16xf32>,
      %add3A_191 = arith.addf %add3A_186, %gather3A_190 : vector<16xf32>
      %get3A_192 = arith.index_cast %scan3A_132 : i32 to index
      %get3A_193 = arith.constant 80 : index
      %get3A_194 = tpu.vector_load %arg7[%get3A_192, %get3A_193] {strides = array<i32>} : memref<104x128xi32, #tpu.memory_space<vmem>>, vector<16xi32>,
      %and3A_195 = arith.andi %get3A_194, %broadcast_in_dim3A_10 : vector<16xi32>
      %gather3A_196 = tpu.vector_load_idx %arg5[%and3A_195] : memref<10112xf32, #tpu.memory_space<vmem>>[vector<16xi32>], vector<16xf32>,
      %add3A_197 = arith.addf %scan3A_138, %gather3A_196 : vector<16xf32>
      %shift_right_logical3A_198 = arith.constant 16 : i32
      %shift_right_logical3A_199 = vector.broadcast %shift_right_logical3A_198 : i32 to vector<16xi32>
      %shift_right_logical3A_200 = arith.shrui %get3A_194, %shift_right_logical3A_199 : vector<16xi32>
      %gather3A_201 = tpu.vector_load_idx %arg5[%shift_right_logical3A_200] : memref<10112xf32, #tpu.memory_space<vmem>>[vector<16xi32>], vector<16xf32>,
      %add3A_202 = arith.addf %add3A_197, %gather3A_201 : vector<16xf32>
      %get3A_203 = arith.index_cast %scan3A_132 : i32 to index
      %get3A_204 = arith.constant 96 : index
      %get3A_205 = tpu.vector_load %arg7[%get3A_203, %get3A_204] {strides = array<i32>} : memref<104x128xi32, #tpu.memory_space<vmem>>, vector<16xi32>,
      %and3A_206 = arith.andi %get3A_205, %broadcast_in_dim3A_10 : vector<16xi32>
      %gather3A_207 = tpu.vector_load_idx %arg5[%and3A_206] : memref<10112xf32, #tpu.memory_space<vmem>>[vector<16xi32>], vector<16xf32>,
      %add3A_208 = arith.addf %scan3A_139, %gather3A_207 : vector<16xf32>
      %shift_right_logical3A_209 = arith.constant 16 : i32
      %shift_right_logical3A_210 = vector.broadcast %shift_right_logical3A_209 : i32 to vector<16xi32>
      %shift_right_logical3A_211 = arith.shrui %get3A_205, %shift_right_logical3A_210 : vector<16xi32>
      %gather3A_212 = tpu.vector_load_idx %arg5[%shift_right_logical3A_211] : memref<10112xf32, #tpu.memory_space<vmem>>[vector<16xi32>], vector<16xf32>,
      %add3A_213 = arith.addf %add3A_208, %gather3A_212 : vector<16xf32>
      %get3A_214 = arith.index_cast %scan3A_132 : i32 to index
      %get3A_215 = arith.constant 112 : index
      %get3A_216 = tpu.vector_load %arg7[%get3A_214, %get3A_215] {strides = array<i32>} : memref<104x128xi32, #tpu.memory_space<vmem>>, vector<16xi32>,
      %and3A_217 = arith.andi %get3A_216, %broadcast_in_dim3A_10 : vector<16xi32>
      %gather3A_218 = tpu.vector_load_idx %arg5[%and3A_217] : memref<10112xf32, #tpu.memory_space<vmem>>[vector<16xi32>], vector<16xf32>,
      %add3A_219 = arith.addf %scan3A_140, %gather3A_218 : vector<16xf32>
      %shift_right_logical3A_220 = arith.constant 16 : i32
      %shift_right_logical3A_221 = vector.broadcast %shift_right_logical3A_220 : i32 to vector<16xi32>
      %shift_right_logical3A_222 = arith.shrui %get3A_216, %shift_right_logical3A_221 : vector<16xi32>
      %gather3A_223 = tpu.vector_load_idx %arg5[%shift_right_logical3A_222] : memref<10112xf32, #tpu.memory_space<vmem>>[vector<16xi32>], vector<16xf32>,
      %add3A_224 = arith.addf %add3A_219, %gather3A_223 : vector<16xf32>
      scf.yield %add3A_147, %add3A_158, %add3A_169, %add3A_180, %add3A_191, %add3A_202, %add3A_213, %add3A_224 : vector<16xf32>, vector<16xf32>, vector<16xf32>, vector<16xf32>, vector<16xf32>, vector<16xf32>, vector<16xf32>, vector<16xf32>
    }
    %scan3A_113 = arith.constant 104 : i32
    %swap3A_114 = arith.constant 384 : index
    %swap3A_115 = tpu.vector_load %arg8[%swap3A_114] {strides = array<i32>} : memref<512xf32, #tpu.memory_space<vmem>>, vector<16xf32>,
    tpu.vector_store %arg8[%swap3A_114], %scan3A_112#0 {strides = array<i32>} : memref<512xf32, #tpu.memory_space<vmem>>, vector<16xf32>,
    %swap3A_116 = arith.constant 400 : index
    %swap3A_117 = tpu.vector_load %arg8[%swap3A_116] {strides = array<i32>} : memref<512xf32, #tpu.memory_space<vmem>>, vector<16xf32>,
    tpu.vector_store %arg8[%swap3A_116], %scan3A_112#1 {strides = array<i32>} : memref<512xf32, #tpu.memory_space<vmem>>, vector<16xf32>,
    %swap3A_118 = arith.constant 416 : index
    %swap3A_119 = tpu.vector_load %arg8[%swap3A_118] {strides = array<i32>} : memref<512xf32, #tpu.memory_space<vmem>>, vector<16xf32>,
    tpu.vector_store %arg8[%swap3A_118], %scan3A_112#2 {strides = array<i32>} : memref<512xf32, #tpu.memory_space<vmem>>, vector<16xf32>,
    %swap3A_120 = arith.constant 432 : index
    %swap3A_121 = tpu.vector_load %arg8[%swap3A_120] {strides = array<i32>} : memref<512xf32, #tpu.memory_space<vmem>>, vector<16xf32>,
    tpu.vector_store %arg8[%swap3A_120], %scan3A_112#3 {strides = array<i32>} : memref<512xf32, #tpu.memory_space<vmem>>, vector<16xf32>,
    %swap3A_122 = arith.constant 448 : index
    %swap3A_123 = tpu.vector_load %arg8[%swap3A_122] {strides = array<i32>} : memref<512xf32, #tpu.memory_space<vmem>>, vector<16xf32>,
    tpu.vector_store %arg8[%swap3A_122], %scan3A_112#4 {strides = array<i32>} : memref<512xf32, #tpu.memory_space<vmem>>, vector<16xf32>,
    %swap3A_124 = arith.constant 464 : index
    %swap3A_125 = tpu.vector_load %arg8[%swap3A_124] {strides = array<i32>} : memref<512xf32, #tpu.memory_space<vmem>>, vector<16xf32>,
    tpu.vector_store %arg8[%swap3A_124], %scan3A_112#5 {strides = array<i32>} : memref<512xf32, #tpu.memory_space<vmem>>, vector<16xf32>,
    %swap3A_126 = arith.constant 480 : index
    %swap3A_127 = tpu.vector_load %arg8[%swap3A_126] {strides = array<i32>} : memref<512xf32, #tpu.memory_space<vmem>>, vector<16xf32>,
    tpu.vector_store %arg8[%swap3A_126], %scan3A_112#6 {strides = array<i32>} : memref<512xf32, #tpu.memory_space<vmem>>, vector<16xf32>,
    %swap3A_128 = arith.constant 496 : index
    %swap3A_129 = tpu.vector_load %arg8[%swap3A_128] {strides = array<i32>} : memref<512xf32, #tpu.memory_space<vmem>>, vector<16xf32>,
    tpu.vector_store %arg8[%swap3A_128], %scan3A_112#7 {strides = array<i32>} : memref<512xf32, #tpu.memory_space<vmem>>, vector<16xf32>,
    %mul3A_130 = arith.constant 512 : i32
    %mul3A_131 = arith.muli %add3A, %mul3A_130 : i32
    "tpu.region"() ({
      %run_scoped3A = tpu.sem_alloc : memref<!tpu.dma_semaphore, #tpu.memory_space<semaphore_mem>>
      %dma_start3A_132 = tpu.memref_slice %arg4[%mul3A_131] : memref<16384xf32, #tpu.memory_space<hbm>> -> memref<512xf32, #tpu.memory_space<hbm>>
      %dma_start3A_133 = tpu.memref_slice %arg4[%mul3A_131] : memref<16384xf32, #tpu.memory_space<hbm>> -> memref<512xf32, #tpu.memory_space<hbm>>
      tpu.enqueue_dma source(%arg8 : memref<512xf32, #tpu.memory_space<vmem>>) target(%dma_start3A_133 : memref<512xf32, #tpu.memory_space<hbm>>) target_semaphore(%run_scoped3A : memref<!tpu.dma_semaphore, #tpu.memory_space<semaphore_mem>>)
      %dma_wait3A_134 = tpu.memref_slice %arg4[%mul3A_131] : memref<16384xf32, #tpu.memory_space<hbm>> -> memref<512xf32, #tpu.memory_space<hbm>>
      %dma_wait3A_135 = tpu.memref_slice %arg4[%mul3A_131] : memref<16384xf32, #tpu.memory_space<hbm>> -> memref<512xf32, #tpu.memory_space<hbm>>
      tpu.wait_dma2 semaphore(%run_scoped3A : memref<!tpu.dma_semaphore, #tpu.memory_space<semaphore_mem>>) src(%arg8 : memref<512xf32, #tpu.memory_space<vmem>>) dst(%dma_wait3A_135 : memref<512xf32, #tpu.memory_space<hbm>>)
      tpu.yield
    }) : () -> ()
    return
  }
}

module attributes {stable_mosaic.version = 14 : i64} {
  func.func @_prep_body(%arg0: i32, %arg1: memref<200x8192xi32, #tpu.memory_space<vmem>>, %arg2: memref<16x10001xf32, #tpu.memory_space<vmem>>, %arg3: memref<1x16xf32, #tpu.memory_space<vmem>>, %arg4: memref<1xf32, #tpu.memory_space<vmem>>, %arg5: memref<6656x128xi32, #tpu.memory_space<vmem>>, %arg6: memref<10112xf32, #tpu.memory_space<vmem>>) attributes {dimension_semantics = [#tpu.dimension_semantics<arbitrary>], iteration_bounds = array<i64: 2>, scalar_prefetch = 0 : i64, scratch_operands = 0 : i64, tpu.core_type = #tpu.core_type<tc>, window_params = [{transform_indices = @transform_0, window_bounds = array<i64: 200, 8192>}, {pipeline_mode = #tpu.pipeline_mode<synchronous>, transform_indices = @transform_1, window_bounds = array<i64: 16, 10001>}, {pipeline_mode = #tpu.pipeline_mode<synchronous>, transform_indices = @transform_2, window_bounds = array<i64: 1, 16>}, {pipeline_mode = #tpu.pipeline_mode<synchronous>, transform_indices = @transform_3, window_bounds = array<i64: 1>}, {transform_indices = @transform_4, window_bounds = array<i64: 6656, 128>}, {pipeline_mode = #tpu.pipeline_mode<synchronous>, transform_indices = @transform_5, window_bounds = array<i64: 10112>}]} {
    %eq3A = arith.constant 0 : i32
    %eq3A_0 = arith.cmpi eq, %arg0, %eq3A : i32
    %convert_element_type3A = arith.extui %eq3A_0 : i1 to i32
    %cond3A = arith.constant 0 : i32
    %cond3A_1 = arith.cmpi ne, %convert_element_type3A, %cond3A : i32
    scf.if %cond3A_1 {
      %get3A_522 = arith.constant 0 : index
      %get3A_523 = arith.constant 0 : index
      %get3A_524 = vector.load %arg3[%get3A_522, %get3A_523] : memref<1x16xf32, #tpu.memory_space<vmem>>, vector<1x16xf32>
      %get3A_525 = arith.constant 0 : index
      %get3A_526 = arith.constant 0 : index
      %get3A_527 = vector.load %arg2[%get3A_525, %get3A_526] : memref<16x10001xf32, #tpu.memory_space<vmem>>, vector<16x10001xf32>
      %dot_general3A = arith.constant dense<0.000000e+00> : vector<1x10001xf32>
      %dot_general3A_528 = tpu.matmul %get3A_524, %get3A_527, %dot_general3A {dimension_numbers = #tpu.dot_dimension_numbers<[1], [0], [0], [1], [0, 0, 1, 1], [], []>, transpose_lhs_hint = false} : vector<1x16xf32>, vector<16x10001xf32>, vector<1x10001xf32> -> vector<1x10001xf32>
      %get3A_529 = arith.constant 0 : index
      %get3A_530 = vector.load %arg4[%get3A_529] : memref<1xf32, #tpu.memory_space<vmem>>, vector<1xf32>
      %get3A_531 = vector.extract %get3A_530[0] : f32 from vector<1xf32>
      %add3A = vector.broadcast %get3A_531 : f32 to vector<1x10001xf32>
      %add3A_532 = arith.addf %dot_general3A_528, %add3A : vector<1x10001xf32>
      %mul3A = arith.constant 5.000000e-03 : f32
      %mul3A_533 = vector.broadcast %mul3A : f32 to vector<1x10001xf32>
      %mul3A_534 = arith.mulf %add3A_532, %mul3A_533 : vector<1x10001xf32>
      %reshape3A = vector.shape_cast %mul3A_534 : vector<1x10001xf32> to vector<10001xf32>
      %broadcast_in_dim3A = arith.constant 0.000000e+00 : f32
      %broadcast_in_dim3A_535 = vector.broadcast %broadcast_in_dim3A : f32 to vector<10112xf32>
      %swap3A_536 = arith.constant 0 : index
      %swap3A_537 = vector.load %arg6[%swap3A_536] : memref<10112xf32, #tpu.memory_space<vmem>>, vector<10112xf32>
      tpu.vector_store %arg6[%swap3A_536], %broadcast_in_dim3A_535 {strides = array<i32>} : memref<10112xf32, #tpu.memory_space<vmem>>, vector<10112xf32>,
      %swap3A_538 = arith.constant 0 : index
      %swap3A_539 = vector.load %arg6[%swap3A_538] : memref<10112xf32, #tpu.memory_space<vmem>>, vector<10001xf32>
      tpu.vector_store %arg6[%swap3A_538], %reshape3A {strides = array<i32>} : memref<10112xf32, #tpu.memory_space<vmem>>, vector<10001xf32>,
    } else {
    }
    %get3A = arith.constant 0 : index
    %get3A_2 = arith.constant 0 : index
    %get3A_3 = vector.load %arg1[%get3A, %get3A_2] : memref<200x8192xi32, #tpu.memory_space<vmem>>, vector<200x8192xi32>
    %slice3A = vector.extract_strided_slice %get3A_3 {offsets = [0, 0], sizes = [96, 8192], strides = [1, 1]} : vector<200x8192xi32> to vector<96x8192xi32>
    %slice3A_4 = vector.extract_strided_slice %get3A_3 {offsets = [96, 0], sizes = [96, 8192], strides = [1, 1]} : vector<200x8192xi32> to vector<96x8192xi32>
    %shift_left3A = arith.constant 16 : i32
    %shift_left3A_5 = vector.broadcast %shift_left3A : i32 to vector<96x8192xi32>
    %shift_left3A_6 = arith.shli %slice3A_4, %shift_left3A_5 : vector<96x8192xi32>
    %or3A = arith.ori %slice3A, %shift_left3A_6 : vector<96x8192xi32>
    %slice3A_7 = vector.extract_strided_slice %get3A_3 {offsets = [192, 0], sizes = [8, 8192], strides = [1, 1]} : vector<200x8192xi32> to vector<8x8192xi32>
    %or3A_8 = arith.constant 655425536 : i32
    %or3A_9 = vector.broadcast %or3A_8 : i32 to vector<8x8192xi32>
    %or3A_10 = arith.ori %slice3A_7, %or3A_9 : vector<8x8192xi32>
    %slice3A_11 = vector.extract_strided_slice %or3A {offsets = [0, 0], sizes = [96, 128], strides = [1, 1]} : vector<96x8192xi32> to vector<96x128xi32>
    %swap3A = arith.constant 0 : index
    %swap3A_12 = arith.constant 0 : index
    %swap3A_13 = vector.load %arg5[%swap3A, %swap3A_12] : memref<6656x128xi32, #tpu.memory_space<vmem>>, vector<96x128xi32>
    tpu.vector_store %arg5[%swap3A, %swap3A_12], %slice3A_11 {strides = array<i32>} : memref<6656x128xi32, #tpu.memory_space<vmem>>, vector<96x128xi32>,
    %slice3A_14 = vector.extract_strided_slice %or3A_10 {offsets = [0, 0], sizes = [8, 128], strides = [1, 1]} : vector<8x8192xi32> to vector<8x128xi32>
    %swap3A_15 = arith.constant 96 : index
    %swap3A_16 = arith.constant 0 : index
    %swap3A_17 = vector.load %arg5[%swap3A_15, %swap3A_16] : memref<6656x128xi32, #tpu.memory_space<vmem>>, vector<8x128xi32>
    tpu.vector_store %arg5[%swap3A_15, %swap3A_16], %slice3A_14 {strides = array<i32>} : memref<6656x128xi32, #tpu.memory_space<vmem>>, vector<8x128xi32>,
    %slice3A_18 = vector.extract_strided_slice %or3A {offsets = [0, 128], sizes = [96, 128], strides = [1, 1]} : vector<96x8192xi32> to vector<96x128xi32>
    %swap3A_19 = arith.constant 104 : index
    %swap3A_20 = arith.constant 0 : index
    %swap3A_21 = vector.load %arg5[%swap3A_19, %swap3A_20] : memref<6656x128xi32, #tpu.memory_space<vmem>>, vector<96x128xi32>
    tpu.vector_store %arg5[%swap3A_19, %swap3A_20], %slice3A_18 {strides = array<i32>} : memref<6656x128xi32, #tpu.memory_space<vmem>>, vector<96x128xi32>,
    %slice3A_22 = vector.extract_strided_slice %or3A_10 {offsets = [0, 128], sizes = [8, 128], strides = [1, 1]} : vector<8x8192xi32> to vector<8x128xi32>
    %swap3A_23 = arith.constant 200 : index
    %swap3A_24 = arith.constant 0 : index
    %swap3A_25 = vector.load %arg5[%swap3A_23, %swap3A_24] : memref<6656x128xi32, #tpu.memory_space<vmem>>, vector<8x128xi32>
    tpu.vector_store %arg5[%swap3A_23, %swap3A_24], %slice3A_22 {strides = array<i32>} : memref<6656x128xi32, #tpu.memory_space<vmem>>, vector<8x128xi32>,
    %slice3A_26 = vector.extract_strided_slice %or3A {offsets = [0, 256], sizes = [96, 128], strides = [1, 1]} : vector<96x8192xi32> to vector<96x128xi32>
    %swap3A_27 = arith.constant 208 : index
    %swap3A_28 = arith.constant 0 : index
    %swap3A_29 = vector.load %arg5[%swap3A_27, %swap3A_28] : memref<6656x128xi32, #tpu.memory_space<vmem>>, vector<96x128xi32>
    tpu.vector_store %arg5[%swap3A_27, %swap3A_28], %slice3A_26 {strides = array<i32>} : memref<6656x128xi32, #tpu.memory_space<vmem>>, vector<96x128xi32>,
    %slice3A_30 = vector.extract_strided_slice %or3A_10 {offsets = [0, 256], sizes = [8, 128], strides = [1, 1]} : vector<8x8192xi32> to vector<8x128xi32>
    %swap3A_31 = arith.constant 304 : index
    %swap3A_32 = arith.constant 0 : index
    %swap3A_33 = vector.load %arg5[%swap3A_31, %swap3A_32] : memref<6656x128xi32, #tpu.memory_space<vmem>>, vector<8x128xi32>
    tpu.vector_store %arg5[%swap3A_31, %swap3A_32], %slice3A_30 {strides = array<i32>} : memref<6656x128xi32, #tpu.memory_space<vmem>>, vector<8x128xi32>,
    %slice3A_34 = vector.extract_strided_slice %or3A {offsets = [0, 384], sizes = [96, 128], strides = [1, 1]} : vector<96x8192xi32> to vector<96x128xi32>
    %swap3A_35 = arith.constant 312 : index
    %swap3A_36 = arith.constant 0 : index
    %swap3A_37 = vector.load %arg5[%swap3A_35, %swap3A_36] : memref<6656x128xi32, #tpu.memory_space<vmem>>, vector<96x128xi32>
    tpu.vector_store %arg5[%swap3A_35, %swap3A_36], %slice3A_34 {strides = array<i32>} : memref<6656x128xi32, #tpu.memory_space<vmem>>, vector<96x128xi32>,
    %slice3A_38 = vector.extract_strided_slice %or3A_10 {offsets = [0, 384], sizes = [8, 128], strides = [1, 1]} : vector<8x8192xi32> to vector<8x128xi32>
    %swap3A_39 = arith.constant 408 : index
    %swap3A_40 = arith.constant 0 : index
    %swap3A_41 = vector.load %arg5[%swap3A_39, %swap3A_40] : memref<6656x128xi32, #tpu.memory_space<vmem>>, vector<8x128xi32>
    tpu.vector_store %arg5[%swap3A_39, %swap3A_40], %slice3A_38 {strides = array<i32>} : memref<6656x128xi32, #tpu.memory_space<vmem>>, vector<8x128xi32>,
    %slice3A_42 = vector.extract_strided_slice %or3A {offsets = [0, 512], sizes = [96, 128], strides = [1, 1]} : vector<96x8192xi32> to vector<96x128xi32>
    %swap3A_43 = arith.constant 416 : index
    %swap3A_44 = arith.constant 0 : index
    %swap3A_45 = vector.load %arg5[%swap3A_43, %swap3A_44] : memref<6656x128xi32, #tpu.memory_space<vmem>>, vector<96x128xi32>
    tpu.vector_store %arg5[%swap3A_43, %swap3A_44], %slice3A_42 {strides = array<i32>} : memref<6656x128xi32, #tpu.memory_space<vmem>>, vector<96x128xi32>,
    %slice3A_46 = vector.extract_strided_slice %or3A_10 {offsets = [0, 512], sizes = [8, 128], strides = [1, 1]} : vector<8x8192xi32> to vector<8x128xi32>
    %swap3A_47 = arith.constant 512 : index
    %swap3A_48 = arith.constant 0 : index
    %swap3A_49 = vector.load %arg5[%swap3A_47, %swap3A_48] : memref<6656x128xi32, #tpu.memory_space<vmem>>, vector<8x128xi32>
    tpu.vector_store %arg5[%swap3A_47, %swap3A_48], %slice3A_46 {strides = array<i32>} : memref<6656x128xi32, #tpu.memory_space<vmem>>, vector<8x128xi32>,
    %slice3A_50 = vector.extract_strided_slice %or3A {offsets = [0, 640], sizes = [96, 128], strides = [1, 1]} : vector<96x8192xi32> to vector<96x128xi32>
    %swap3A_51 = arith.constant 520 : index
    %swap3A_52 = arith.constant 0 : index
    %swap3A_53 = vector.load %arg5[%swap3A_51, %swap3A_52] : memref<6656x128xi32, #tpu.memory_space<vmem>>, vector<96x128xi32>
    tpu.vector_store %arg5[%swap3A_51, %swap3A_52], %slice3A_50 {strides = array<i32>} : memref<6656x128xi32, #tpu.memory_space<vmem>>, vector<96x128xi32>,
    %slice3A_54 = vector.extract_strided_slice %or3A_10 {offsets = [0, 640], sizes = [8, 128], strides = [1, 1]} : vector<8x8192xi32> to vector<8x128xi32>
    %swap3A_55 = arith.constant 616 : index
    %swap3A_56 = arith.constant 0 : index
    %swap3A_57 = vector.load %arg5[%swap3A_55, %swap3A_56] : memref<6656x128xi32, #tpu.memory_space<vmem>>, vector<8x128xi32>
    tpu.vector_store %arg5[%swap3A_55, %swap3A_56], %slice3A_54 {strides = array<i32>} : memref<6656x128xi32, #tpu.memory_space<vmem>>, vector<8x128xi32>,
    %slice3A_58 = vector.extract_strided_slice %or3A {offsets = [0, 768], sizes = [96, 128], strides = [1, 1]} : vector<96x8192xi32> to vector<96x128xi32>
    %swap3A_59 = arith.constant 624 : index
    %swap3A_60 = arith.constant 0 : index
    %swap3A_61 = vector.load %arg5[%swap3A_59, %swap3A_60] : memref<6656x128xi32, #tpu.memory_space<vmem>>, vector<96x128xi32>
    tpu.vector_store %arg5[%swap3A_59, %swap3A_60], %slice3A_58 {strides = array<i32>} : memref<6656x128xi32, #tpu.memory_space<vmem>>, vector<96x128xi32>,
    %slice3A_62 = vector.extract_strided_slice %or3A_10 {offsets = [0, 768], sizes = [8, 128], strides = [1, 1]} : vector<8x8192xi32> to vector<8x128xi32>
    %swap3A_63 = arith.constant 720 : index
    %swap3A_64 = arith.constant 0 : index
    %swap3A_65 = vector.load %arg5[%swap3A_63, %swap3A_64] : memref<6656x128xi32, #tpu.memory_space<vmem>>, vector<8x128xi32>
    tpu.vector_store %arg5[%swap3A_63, %swap3A_64], %slice3A_62 {strides = array<i32>} : memref<6656x128xi32, #tpu.memory_space<vmem>>, vector<8x128xi32>,
    %slice3A_66 = vector.extract_strided_slice %or3A {offsets = [0, 896], sizes = [96, 128], strides = [1, 1]} : vector<96x8192xi32> to vector<96x128xi32>
    %swap3A_67 = arith.constant 728 : index
    %swap3A_68 = arith.constant 0 : index
    %swap3A_69 = vector.load %arg5[%swap3A_67, %swap3A_68] : memref<6656x128xi32, #tpu.memory_space<vmem>>, vector<96x128xi32>
    tpu.vector_store %arg5[%swap3A_67, %swap3A_68], %slice3A_66 {strides = array<i32>} : memref<6656x128xi32, #tpu.memory_space<vmem>>, vector<96x128xi32>,
    %slice3A_70 = vector.extract_strided_slice %or3A_10 {offsets = [0, 896], sizes = [8, 128], strides = [1, 1]} : vector<8x8192xi32> to vector<8x128xi32>
    %swap3A_71 = arith.constant 824 : index
    %swap3A_72 = arith.constant 0 : index
    %swap3A_73 = vector.load %arg5[%swap3A_71, %swap3A_72] : memref<6656x128xi32, #tpu.memory_space<vmem>>, vector<8x128xi32>
    tpu.vector_store %arg5[%swap3A_71, %swap3A_72], %slice3A_70 {strides = array<i32>} : memref<6656x128xi32, #tpu.memory_space<vmem>>, vector<8x128xi32>,
    %slice3A_74 = vector.extract_strided_slice %or3A {offsets = [0, 1024], sizes = [96, 128], strides = [1, 1]} : vector<96x8192xi32> to vector<96x128xi32>
    %swap3A_75 = arith.constant 832 : index
    %swap3A_76 = arith.constant 0 : index
    %swap3A_77 = vector.load %arg5[%swap3A_75, %swap3A_76] : memref<6656x128xi32, #tpu.memory_space<vmem>>, vector<96x128xi32>
    tpu.vector_store %arg5[%swap3A_75, %swap3A_76], %slice3A_74 {strides = array<i32>} : memref<6656x128xi32, #tpu.memory_space<vmem>>, vector<96x128xi32>,
    %slice3A_78 = vector.extract_strided_slice %or3A_10 {offsets = [0, 1024], sizes = [8, 128], strides = [1, 1]} : vector<8x8192xi32> to vector<8x128xi32>
    %swap3A_79 = arith.constant 928 : index
    %swap3A_80 = arith.constant 0 : index
    %swap3A_81 = vector.load %arg5[%swap3A_79, %swap3A_80] : memref<6656x128xi32, #tpu.memory_space<vmem>>, vector<8x128xi32>
    tpu.vector_store %arg5[%swap3A_79, %swap3A_80], %slice3A_78 {strides = array<i32>} : memref<6656x128xi32, #tpu.memory_space<vmem>>, vector<8x128xi32>,
    %slice3A_82 = vector.extract_strided_slice %or3A {offsets = [0, 1152], sizes = [96, 128], strides = [1, 1]} : vector<96x8192xi32> to vector<96x128xi32>
    %swap3A_83 = arith.constant 936 : index
    %swap3A_84 = arith.constant 0 : index
    %swap3A_85 = vector.load %arg5[%swap3A_83, %swap3A_84] : memref<6656x128xi32, #tpu.memory_space<vmem>>, vector<96x128xi32>
    tpu.vector_store %arg5[%swap3A_83, %swap3A_84], %slice3A_82 {strides = array<i32>} : memref<6656x128xi32, #tpu.memory_space<vmem>>, vector<96x128xi32>,
    %slice3A_86 = vector.extract_strided_slice %or3A_10 {offsets = [0, 1152], sizes = [8, 128], strides = [1, 1]} : vector<8x8192xi32> to vector<8x128xi32>
    %swap3A_87 = arith.constant 1032 : index
    %swap3A_88 = arith.constant 0 : index
    %swap3A_89 = vector.load %arg5[%swap3A_87, %swap3A_88] : memref<6656x128xi32, #tpu.memory_space<vmem>>, vector<8x128xi32>
    tpu.vector_store %arg5[%swap3A_87, %swap3A_88], %slice3A_86 {strides = array<i32>} : memref<6656x128xi32, #tpu.memory_space<vmem>>, vector<8x128xi32>,
    %slice3A_90 = vector.extract_strided_slice %or3A {offsets = [0, 1280], sizes = [96, 128], strides = [1, 1]} : vector<96x8192xi32> to vector<96x128xi32>
    %swap3A_91 = arith.constant 1040 : index
    %swap3A_92 = arith.constant 0 : index
    %swap3A_93 = vector.load %arg5[%swap3A_91, %swap3A_92] : memref<6656x128xi32, #tpu.memory_space<vmem>>, vector<96x128xi32>
    tpu.vector_store %arg5[%swap3A_91, %swap3A_92], %slice3A_90 {strides = array<i32>} : memref<6656x128xi32, #tpu.memory_space<vmem>>, vector<96x128xi32>,
    %slice3A_94 = vector.extract_strided_slice %or3A_10 {offsets = [0, 1280], sizes = [8, 128], strides = [1, 1]} : vector<8x8192xi32> to vector<8x128xi32>
    %swap3A_95 = arith.constant 1136 : index
    %swap3A_96 = arith.constant 0 : index
    %swap3A_97 = vector.load %arg5[%swap3A_95, %swap3A_96] : memref<6656x128xi32, #tpu.memory_space<vmem>>, vector<8x128xi32>
    tpu.vector_store %arg5[%swap3A_95, %swap3A_96], %slice3A_94 {strides = array<i32>} : memref<6656x128xi32, #tpu.memory_space<vmem>>, vector<8x128xi32>,
    %slice3A_98 = vector.extract_strided_slice %or3A {offsets = [0, 1408], sizes = [96, 128], strides = [1, 1]} : vector<96x8192xi32> to vector<96x128xi32>
    %swap3A_99 = arith.constant 1144 : index
    %swap3A_100 = arith.constant 0 : index
    %swap3A_101 = vector.load %arg5[%swap3A_99, %swap3A_100] : memref<6656x128xi32, #tpu.memory_space<vmem>>, vector<96x128xi32>
    tpu.vector_store %arg5[%swap3A_99, %swap3A_100], %slice3A_98 {strides = array<i32>} : memref<6656x128xi32, #tpu.memory_space<vmem>>, vector<96x128xi32>,
    %slice3A_102 = vector.extract_strided_slice %or3A_10 {offsets = [0, 1408], sizes = [8, 128], strides = [1, 1]} : vector<8x8192xi32> to vector<8x128xi32>
    %swap3A_103 = arith.constant 1240 : index
    %swap3A_104 = arith.constant 0 : index
    %swap3A_105 = vector.load %arg5[%swap3A_103, %swap3A_104] : memref<6656x128xi32, #tpu.memory_space<vmem>>, vector<8x128xi32>
    tpu.vector_store %arg5[%swap3A_103, %swap3A_104], %slice3A_102 {strides = array<i32>} : memref<6656x128xi32, #tpu.memory_space<vmem>>, vector<8x128xi32>,
    %slice3A_106 = vector.extract_strided_slice %or3A {offsets = [0, 1536], sizes = [96, 128], strides = [1, 1]} : vector<96x8192xi32> to vector<96x128xi32>
    %swap3A_107 = arith.constant 1248 : index
    %swap3A_108 = arith.constant 0 : index
    %swap3A_109 = vector.load %arg5[%swap3A_107, %swap3A_108] : memref<6656x128xi32, #tpu.memory_space<vmem>>, vector<96x128xi32>
    tpu.vector_store %arg5[%swap3A_107, %swap3A_108], %slice3A_106 {strides = array<i32>} : memref<6656x128xi32, #tpu.memory_space<vmem>>, vector<96x128xi32>,
    %slice3A_110 = vector.extract_strided_slice %or3A_10 {offsets = [0, 1536], sizes = [8, 128], strides = [1, 1]} : vector<8x8192xi32> to vector<8x128xi32>
    %swap3A_111 = arith.constant 1344 : index
    %swap3A_112 = arith.constant 0 : index
    %swap3A_113 = vector.load %arg5[%swap3A_111, %swap3A_112] : memref<6656x128xi32, #tpu.memory_space<vmem>>, vector<8x128xi32>
    tpu.vector_store %arg5[%swap3A_111, %swap3A_112], %slice3A_110 {strides = array<i32>} : memref<6656x128xi32, #tpu.memory_space<vmem>>, vector<8x128xi32>,
    %slice3A_114 = vector.extract_strided_slice %or3A {offsets = [0, 1664], sizes = [96, 128], strides = [1, 1]} : vector<96x8192xi32> to vector<96x128xi32>
    %swap3A_115 = arith.constant 1352 : index
    %swap3A_116 = arith.constant 0 : index
    %swap3A_117 = vector.load %arg5[%swap3A_115, %swap3A_116] : memref<6656x128xi32, #tpu.memory_space<vmem>>, vector<96x128xi32>
    tpu.vector_store %arg5[%swap3A_115, %swap3A_116], %slice3A_114 {strides = array<i32>} : memref<6656x128xi32, #tpu.memory_space<vmem>>, vector<96x128xi32>,
    %slice3A_118 = vector.extract_strided_slice %or3A_10 {offsets = [0, 1664], sizes = [8, 128], strides = [1, 1]} : vector<8x8192xi32> to vector<8x128xi32>
    %swap3A_119 = arith.constant 1448 : index
    %swap3A_120 = arith.constant 0 : index
    %swap3A_121 = vector.load %arg5[%swap3A_119, %swap3A_120] : memref<6656x128xi32, #tpu.memory_space<vmem>>, vector<8x128xi32>
    tpu.vector_store %arg5[%swap3A_119, %swap3A_120], %slice3A_118 {strides = array<i32>} : memref<6656x128xi32, #tpu.memory_space<vmem>>, vector<8x128xi32>,
    %slice3A_122 = vector.extract_strided_slice %or3A {offsets = [0, 1792], sizes = [96, 128], strides = [1, 1]} : vector<96x8192xi32> to vector<96x128xi32>
    %swap3A_123 = arith.constant 1456 : index
    %swap3A_124 = arith.constant 0 : index
    %swap3A_125 = vector.load %arg5[%swap3A_123, %swap3A_124] : memref<6656x128xi32, #tpu.memory_space<vmem>>, vector<96x128xi32>
    tpu.vector_store %arg5[%swap3A_123, %swap3A_124], %slice3A_122 {strides = array<i32>} : memref<6656x128xi32, #tpu.memory_space<vmem>>, vector<96x128xi32>,
    %slice3A_126 = vector.extract_strided_slice %or3A_10 {offsets = [0, 1792], sizes = [8, 128], strides = [1, 1]} : vector<8x8192xi32> to vector<8x128xi32>
    %swap3A_127 = arith.constant 1552 : index
    %swap3A_128 = arith.constant 0 : index
    %swap3A_129 = vector.load %arg5[%swap3A_127, %swap3A_128] : memref<6656x128xi32, #tpu.memory_space<vmem>>, vector<8x128xi32>
    tpu.vector_store %arg5[%swap3A_127, %swap3A_128], %slice3A_126 {strides = array<i32>} : memref<6656x128xi32, #tpu.memory_space<vmem>>, vector<8x128xi32>,
    %slice3A_130 = vector.extract_strided_slice %or3A {offsets = [0, 1920], sizes = [96, 128], strides = [1, 1]} : vector<96x8192xi32> to vector<96x128xi32>
    %swap3A_131 = arith.constant 1560 : index
    %swap3A_132 = arith.constant 0 : index
    %swap3A_133 = vector.load %arg5[%swap3A_131, %swap3A_132] : memref<6656x128xi32, #tpu.memory_space<vmem>>, vector<96x128xi32>
    tpu.vector_store %arg5[%swap3A_131, %swap3A_132], %slice3A_130 {strides = array<i32>} : memref<6656x128xi32, #tpu.memory_space<vmem>>, vector<96x128xi32>,
    %slice3A_134 = vector.extract_strided_slice %or3A_10 {offsets = [0, 1920], sizes = [8, 128], strides = [1, 1]} : vector<8x8192xi32> to vector<8x128xi32>
    %swap3A_135 = arith.constant 1656 : index
    %swap3A_136 = arith.constant 0 : index
    %swap3A_137 = vector.load %arg5[%swap3A_135, %swap3A_136] : memref<6656x128xi32, #tpu.memory_space<vmem>>, vector<8x128xi32>
    tpu.vector_store %arg5[%swap3A_135, %swap3A_136], %slice3A_134 {strides = array<i32>} : memref<6656x128xi32, #tpu.memory_space<vmem>>, vector<8x128xi32>,
    %slice3A_138 = vector.extract_strided_slice %or3A {offsets = [0, 2048], sizes = [96, 128], strides = [1, 1]} : vector<96x8192xi32> to vector<96x128xi32>
    %swap3A_139 = arith.constant 1664 : index
    %swap3A_140 = arith.constant 0 : index
    %swap3A_141 = vector.load %arg5[%swap3A_139, %swap3A_140] : memref<6656x128xi32, #tpu.memory_space<vmem>>, vector<96x128xi32>
    tpu.vector_store %arg5[%swap3A_139, %swap3A_140], %slice3A_138 {strides = array<i32>} : memref<6656x128xi32, #tpu.memory_space<vmem>>, vector<96x128xi32>,
    %slice3A_142 = vector.extract_strided_slice %or3A_10 {offsets = [0, 2048], sizes = [8, 128], strides = [1, 1]} : vector<8x8192xi32> to vector<8x128xi32>
    %swap3A_143 = arith.constant 1760 : index
    %swap3A_144 = arith.constant 0 : index
    %swap3A_145 = vector.load %arg5[%swap3A_143, %swap3A_144] : memref<6656x128xi32, #tpu.memory_space<vmem>>, vector<8x128xi32>
    tpu.vector_store %arg5[%swap3A_143, %swap3A_144], %slice3A_142 {strides = array<i32>} : memref<6656x128xi32, #tpu.memory_space<vmem>>, vector<8x128xi32>,
    %slice3A_146 = vector.extract_strided_slice %or3A {offsets = [0, 2176], sizes = [96, 128], strides = [1, 1]} : vector<96x8192xi32> to vector<96x128xi32>
    %swap3A_147 = arith.constant 1768 : index
    %swap3A_148 = arith.constant 0 : index
    %swap3A_149 = vector.load %arg5[%swap3A_147, %swap3A_148] : memref<6656x128xi32, #tpu.memory_space<vmem>>, vector<96x128xi32>
    tpu.vector_store %arg5[%swap3A_147, %swap3A_148], %slice3A_146 {strides = array<i32>} : memref<6656x128xi32, #tpu.memory_space<vmem>>, vector<96x128xi32>,
    %slice3A_150 = vector.extract_strided_slice %or3A_10 {offsets = [0, 2176], sizes = [8, 128], strides = [1, 1]} : vector<8x8192xi32> to vector<8x128xi32>
    %swap3A_151 = arith.constant 1864 : index
    %swap3A_152 = arith.constant 0 : index
    %swap3A_153 = vector.load %arg5[%swap3A_151, %swap3A_152] : memref<6656x128xi32, #tpu.memory_space<vmem>>, vector<8x128xi32>
    tpu.vector_store %arg5[%swap3A_151, %swap3A_152], %slice3A_150 {strides = array<i32>} : memref<6656x128xi32, #tpu.memory_space<vmem>>, vector<8x128xi32>,
    %slice3A_154 = vector.extract_strided_slice %or3A {offsets = [0, 2304], sizes = [96, 128], strides = [1, 1]} : vector<96x8192xi32> to vector<96x128xi32>
    %swap3A_155 = arith.constant 1872 : index
    %swap3A_156 = arith.constant 0 : index
    %swap3A_157 = vector.load %arg5[%swap3A_155, %swap3A_156] : memref<6656x128xi32, #tpu.memory_space<vmem>>, vector<96x128xi32>
    tpu.vector_store %arg5[%swap3A_155, %swap3A_156], %slice3A_154 {strides = array<i32>} : memref<6656x128xi32, #tpu.memory_space<vmem>>, vector<96x128xi32>,
    %slice3A_158 = vector.extract_strided_slice %or3A_10 {offsets = [0, 2304], sizes = [8, 128], strides = [1, 1]} : vector<8x8192xi32> to vector<8x128xi32>
    %swap3A_159 = arith.constant 1968 : index
    %swap3A_160 = arith.constant 0 : index
    %swap3A_161 = vector.load %arg5[%swap3A_159, %swap3A_160] : memref<6656x128xi32, #tpu.memory_space<vmem>>, vector<8x128xi32>
    tpu.vector_store %arg5[%swap3A_159, %swap3A_160], %slice3A_158 {strides = array<i32>} : memref<6656x128xi32, #tpu.memory_space<vmem>>, vector<8x128xi32>,
    %slice3A_162 = vector.extract_strided_slice %or3A {offsets = [0, 2432], sizes = [96, 128], strides = [1, 1]} : vector<96x8192xi32> to vector<96x128xi32>
    %swap3A_163 = arith.constant 1976 : index
    %swap3A_164 = arith.constant 0 : index
    %swap3A_165 = vector.load %arg5[%swap3A_163, %swap3A_164] : memref<6656x128xi32, #tpu.memory_space<vmem>>, vector<96x128xi32>
    tpu.vector_store %arg5[%swap3A_163, %swap3A_164], %slice3A_162 {strides = array<i32>} : memref<6656x128xi32, #tpu.memory_space<vmem>>, vector<96x128xi32>,
    %slice3A_166 = vector.extract_strided_slice %or3A_10 {offsets = [0, 2432], sizes = [8, 128], strides = [1, 1]} : vector<8x8192xi32> to vector<8x128xi32>
    %swap3A_167 = arith.constant 2072 : index
    %swap3A_168 = arith.constant 0 : index
    %swap3A_169 = vector.load %arg5[%swap3A_167, %swap3A_168] : memref<6656x128xi32, #tpu.memory_space<vmem>>, vector<8x128xi32>
    tpu.vector_store %arg5[%swap3A_167, %swap3A_168], %slice3A_166 {strides = array<i32>} : memref<6656x128xi32, #tpu.memory_space<vmem>>, vector<8x128xi32>,
    %slice3A_170 = vector.extract_strided_slice %or3A {offsets = [0, 2560], sizes = [96, 128], strides = [1, 1]} : vector<96x8192xi32> to vector<96x128xi32>
    %swap3A_171 = arith.constant 2080 : index
    %swap3A_172 = arith.constant 0 : index
    %swap3A_173 = vector.load %arg5[%swap3A_171, %swap3A_172] : memref<6656x128xi32, #tpu.memory_space<vmem>>, vector<96x128xi32>
    tpu.vector_store %arg5[%swap3A_171, %swap3A_172], %slice3A_170 {strides = array<i32>} : memref<6656x128xi32, #tpu.memory_space<vmem>>, vector<96x128xi32>,
    %slice3A_174 = vector.extract_strided_slice %or3A_10 {offsets = [0, 2560], sizes = [8, 128], strides = [1, 1]} : vector<8x8192xi32> to vector<8x128xi32>
    %swap3A_175 = arith.constant 2176 : index
    %swap3A_176 = arith.constant 0 : index
    %swap3A_177 = vector.load %arg5[%swap3A_175, %swap3A_176] : memref<6656x128xi32, #tpu.memory_space<vmem>>, vector<8x128xi32>
    tpu.vector_store %arg5[%swap3A_175, %swap3A_176], %slice3A_174 {strides = array<i32>} : memref<6656x128xi32, #tpu.memory_space<vmem>>, vector<8x128xi32>,
    %slice3A_178 = vector.extract_strided_slice %or3A {offsets = [0, 2688], sizes = [96, 128], strides = [1, 1]} : vector<96x8192xi32> to vector<96x128xi32>
    %swap3A_179 = arith.constant 2184 : index
    %swap3A_180 = arith.constant 0 : index
    %swap3A_181 = vector.load %arg5[%swap3A_179, %swap3A_180] : memref<6656x128xi32, #tpu.memory_space<vmem>>, vector<96x128xi32>
    tpu.vector_store %arg5[%swap3A_179, %swap3A_180], %slice3A_178 {strides = array<i32>} : memref<6656x128xi32, #tpu.memory_space<vmem>>, vector<96x128xi32>,
    %slice3A_182 = vector.extract_strided_slice %or3A_10 {offsets = [0, 2688], sizes = [8, 128], strides = [1, 1]} : vector<8x8192xi32> to vector<8x128xi32>
    %swap3A_183 = arith.constant 2280 : index
    %swap3A_184 = arith.constant 0 : index
    %swap3A_185 = vector.load %arg5[%swap3A_183, %swap3A_184] : memref<6656x128xi32, #tpu.memory_space<vmem>>, vector<8x128xi32>
    tpu.vector_store %arg5[%swap3A_183, %swap3A_184], %slice3A_182 {strides = array<i32>} : memref<6656x128xi32, #tpu.memory_space<vmem>>, vector<8x128xi32>,
    %slice3A_186 = vector.extract_strided_slice %or3A {offsets = [0, 2816], sizes = [96, 128], strides = [1, 1]} : vector<96x8192xi32> to vector<96x128xi32>
    %swap3A_187 = arith.constant 2288 : index
    %swap3A_188 = arith.constant 0 : index
    %swap3A_189 = vector.load %arg5[%swap3A_187, %swap3A_188] : memref<6656x128xi32, #tpu.memory_space<vmem>>, vector<96x128xi32>
    tpu.vector_store %arg5[%swap3A_187, %swap3A_188], %slice3A_186 {strides = array<i32>} : memref<6656x128xi32, #tpu.memory_space<vmem>>, vector<96x128xi32>,
    %slice3A_190 = vector.extract_strided_slice %or3A_10 {offsets = [0, 2816], sizes = [8, 128], strides = [1, 1]} : vector<8x8192xi32> to vector<8x128xi32>
    %swap3A_191 = arith.constant 2384 : index
    %swap3A_192 = arith.constant 0 : index
    %swap3A_193 = vector.load %arg5[%swap3A_191, %swap3A_192] : memref<6656x128xi32, #tpu.memory_space<vmem>>, vector<8x128xi32>
    tpu.vector_store %arg5[%swap3A_191, %swap3A_192], %slice3A_190 {strides = array<i32>} : memref<6656x128xi32, #tpu.memory_space<vmem>>, vector<8x128xi32>,
    %slice3A_194 = vector.extract_strided_slice %or3A {offsets = [0, 2944], sizes = [96, 128], strides = [1, 1]} : vector<96x8192xi32> to vector<96x128xi32>
    %swap3A_195 = arith.constant 2392 : index
    %swap3A_196 = arith.constant 0 : index
    %swap3A_197 = vector.load %arg5[%swap3A_195, %swap3A_196] : memref<6656x128xi32, #tpu.memory_space<vmem>>, vector<96x128xi32>
    tpu.vector_store %arg5[%swap3A_195, %swap3A_196], %slice3A_194 {strides = array<i32>} : memref<6656x128xi32, #tpu.memory_space<vmem>>, vector<96x128xi32>,
    %slice3A_198 = vector.extract_strided_slice %or3A_10 {offsets = [0, 2944], sizes = [8, 128], strides = [1, 1]} : vector<8x8192xi32> to vector<8x128xi32>
    %swap3A_199 = arith.constant 2488 : index
    %swap3A_200 = arith.constant 0 : index
    %swap3A_201 = vector.load %arg5[%swap3A_199, %swap3A_200] : memref<6656x128xi32, #tpu.memory_space<vmem>>, vector<8x128xi32>
    tpu.vector_store %arg5[%swap3A_199, %swap3A_200], %slice3A_198 {strides = array<i32>} : memref<6656x128xi32, #tpu.memory_space<vmem>>, vector<8x128xi32>,
    %slice3A_202 = vector.extract_strided_slice %or3A {offsets = [0, 3072], sizes = [96, 128], strides = [1, 1]} : vector<96x8192xi32> to vector<96x128xi32>
    %swap3A_203 = arith.constant 2496 : index
    %swap3A_204 = arith.constant 0 : index
    %swap3A_205 = vector.load %arg5[%swap3A_203, %swap3A_204] : memref<6656x128xi32, #tpu.memory_space<vmem>>, vector<96x128xi32>
    tpu.vector_store %arg5[%swap3A_203, %swap3A_204], %slice3A_202 {strides = array<i32>} : memref<6656x128xi32, #tpu.memory_space<vmem>>, vector<96x128xi32>,
    %slice3A_206 = vector.extract_strided_slice %or3A_10 {offsets = [0, 3072], sizes = [8, 128], strides = [1, 1]} : vector<8x8192xi32> to vector<8x128xi32>
    %swap3A_207 = arith.constant 2592 : index
    %swap3A_208 = arith.constant 0 : index
    %swap3A_209 = vector.load %arg5[%swap3A_207, %swap3A_208] : memref<6656x128xi32, #tpu.memory_space<vmem>>, vector<8x128xi32>
    tpu.vector_store %arg5[%swap3A_207, %swap3A_208], %slice3A_206 {strides = array<i32>} : memref<6656x128xi32, #tpu.memory_space<vmem>>, vector<8x128xi32>,
    %slice3A_210 = vector.extract_strided_slice %or3A {offsets = [0, 3200], sizes = [96, 128], strides = [1, 1]} : vector<96x8192xi32> to vector<96x128xi32>
    %swap3A_211 = arith.constant 2600 : index
    %swap3A_212 = arith.constant 0 : index
    %swap3A_213 = vector.load %arg5[%swap3A_211, %swap3A_212] : memref<6656x128xi32, #tpu.memory_space<vmem>>, vector<96x128xi32>
    tpu.vector_store %arg5[%swap3A_211, %swap3A_212], %slice3A_210 {strides = array<i32>} : memref<6656x128xi32, #tpu.memory_space<vmem>>, vector<96x128xi32>,
    %slice3A_214 = vector.extract_strided_slice %or3A_10 {offsets = [0, 3200], sizes = [8, 128], strides = [1, 1]} : vector<8x8192xi32> to vector<8x128xi32>
    %swap3A_215 = arith.constant 2696 : index
    %swap3A_216 = arith.constant 0 : index
    %swap3A_217 = vector.load %arg5[%swap3A_215, %swap3A_216] : memref<6656x128xi32, #tpu.memory_space<vmem>>, vector<8x128xi32>
    tpu.vector_store %arg5[%swap3A_215, %swap3A_216], %slice3A_214 {strides = array<i32>} : memref<6656x128xi32, #tpu.memory_space<vmem>>, vector<8x128xi32>,
    %slice3A_218 = vector.extract_strided_slice %or3A {offsets = [0, 3328], sizes = [96, 128], strides = [1, 1]} : vector<96x8192xi32> to vector<96x128xi32>
    %swap3A_219 = arith.constant 2704 : index
    %swap3A_220 = arith.constant 0 : index
    %swap3A_221 = vector.load %arg5[%swap3A_219, %swap3A_220] : memref<6656x128xi32, #tpu.memory_space<vmem>>, vector<96x128xi32>
    tpu.vector_store %arg5[%swap3A_219, %swap3A_220], %slice3A_218 {strides = array<i32>} : memref<6656x128xi32, #tpu.memory_space<vmem>>, vector<96x128xi32>,
    %slice3A_222 = vector.extract_strided_slice %or3A_10 {offsets = [0, 3328], sizes = [8, 128], strides = [1, 1]} : vector<8x8192xi32> to vector<8x128xi32>
    %swap3A_223 = arith.constant 2800 : index
    %swap3A_224 = arith.constant 0 : index
    %swap3A_225 = vector.load %arg5[%swap3A_223, %swap3A_224] : memref<6656x128xi32, #tpu.memory_space<vmem>>, vector<8x128xi32>
    tpu.vector_store %arg5[%swap3A_223, %swap3A_224], %slice3A_222 {strides = array<i32>} : memref<6656x128xi32, #tpu.memory_space<vmem>>, vector<8x128xi32>,
    %slice3A_226 = vector.extract_strided_slice %or3A {offsets = [0, 3456], sizes = [96, 128], strides = [1, 1]} : vector<96x8192xi32> to vector<96x128xi32>
    %swap3A_227 = arith.constant 2808 : index
    %swap3A_228 = arith.constant 0 : index
    %swap3A_229 = vector.load %arg5[%swap3A_227, %swap3A_228] : memref<6656x128xi32, #tpu.memory_space<vmem>>, vector<96x128xi32>
    tpu.vector_store %arg5[%swap3A_227, %swap3A_228], %slice3A_226 {strides = array<i32>} : memref<6656x128xi32, #tpu.memory_space<vmem>>, vector<96x128xi32>,
    %slice3A_230 = vector.extract_strided_slice %or3A_10 {offsets = [0, 3456], sizes = [8, 128], strides = [1, 1]} : vector<8x8192xi32> to vector<8x128xi32>
    %swap3A_231 = arith.constant 2904 : index
    %swap3A_232 = arith.constant 0 : index
    %swap3A_233 = vector.load %arg5[%swap3A_231, %swap3A_232] : memref<6656x128xi32, #tpu.memory_space<vmem>>, vector<8x128xi32>
    tpu.vector_store %arg5[%swap3A_231, %swap3A_232], %slice3A_230 {strides = array<i32>} : memref<6656x128xi32, #tpu.memory_space<vmem>>, vector<8x128xi32>,
    %slice3A_234 = vector.extract_strided_slice %or3A {offsets = [0, 3584], sizes = [96, 128], strides = [1, 1]} : vector<96x8192xi32> to vector<96x128xi32>
    %swap3A_235 = arith.constant 2912 : index
    %swap3A_236 = arith.constant 0 : index
    %swap3A_237 = vector.load %arg5[%swap3A_235, %swap3A_236] : memref<6656x128xi32, #tpu.memory_space<vmem>>, vector<96x128xi32>
    tpu.vector_store %arg5[%swap3A_235, %swap3A_236], %slice3A_234 {strides = array<i32>} : memref<6656x128xi32, #tpu.memory_space<vmem>>, vector<96x128xi32>,
    %slice3A_238 = vector.extract_strided_slice %or3A_10 {offsets = [0, 3584], sizes = [8, 128], strides = [1, 1]} : vector<8x8192xi32> to vector<8x128xi32>
    %swap3A_239 = arith.constant 3008 : index
    %swap3A_240 = arith.constant 0 : index
    %swap3A_241 = vector.load %arg5[%swap3A_239, %swap3A_240] : memref<6656x128xi32, #tpu.memory_space<vmem>>, vector<8x128xi32>
    tpu.vector_store %arg5[%swap3A_239, %swap3A_240], %slice3A_238 {strides = array<i32>} : memref<6656x128xi32, #tpu.memory_space<vmem>>, vector<8x128xi32>,
    %slice3A_242 = vector.extract_strided_slice %or3A {offsets = [0, 3712], sizes = [96, 128], strides = [1, 1]} : vector<96x8192xi32> to vector<96x128xi32>
    %swap3A_243 = arith.constant 3016 : index
    %swap3A_244 = arith.constant 0 : index
    %swap3A_245 = vector.load %arg5[%swap3A_243, %swap3A_244] : memref<6656x128xi32, #tpu.memory_space<vmem>>, vector<96x128xi32>
    tpu.vector_store %arg5[%swap3A_243, %swap3A_244], %slice3A_242 {strides = array<i32>} : memref<6656x128xi32, #tpu.memory_space<vmem>>, vector<96x128xi32>,
    %slice3A_246 = vector.extract_strided_slice %or3A_10 {offsets = [0, 3712], sizes = [8, 128], strides = [1, 1]} : vector<8x8192xi32> to vector<8x128xi32>
    %swap3A_247 = arith.constant 3112 : index
    %swap3A_248 = arith.constant 0 : index
    %swap3A_249 = vector.load %arg5[%swap3A_247, %swap3A_248] : memref<6656x128xi32, #tpu.memory_space<vmem>>, vector<8x128xi32>
    tpu.vector_store %arg5[%swap3A_247, %swap3A_248], %slice3A_246 {strides = array<i32>} : memref<6656x128xi32, #tpu.memory_space<vmem>>, vector<8x128xi32>,
    %slice3A_250 = vector.extract_strided_slice %or3A {offsets = [0, 3840], sizes = [96, 128], strides = [1, 1]} : vector<96x8192xi32> to vector<96x128xi32>
    %swap3A_251 = arith.constant 3120 : index
    %swap3A_252 = arith.constant 0 : index
    %swap3A_253 = vector.load %arg5[%swap3A_251, %swap3A_252] : memref<6656x128xi32, #tpu.memory_space<vmem>>, vector<96x128xi32>
    tpu.vector_store %arg5[%swap3A_251, %swap3A_252], %slice3A_250 {strides = array<i32>} : memref<6656x128xi32, #tpu.memory_space<vmem>>, vector<96x128xi32>,
    %slice3A_254 = vector.extract_strided_slice %or3A_10 {offsets = [0, 3840], sizes = [8, 128], strides = [1, 1]} : vector<8x8192xi32> to vector<8x128xi32>
    %swap3A_255 = arith.constant 3216 : index
    %swap3A_256 = arith.constant 0 : index
    %swap3A_257 = vector.load %arg5[%swap3A_255, %swap3A_256] : memref<6656x128xi32, #tpu.memory_space<vmem>>, vector<8x128xi32>
    tpu.vector_store %arg5[%swap3A_255, %swap3A_256], %slice3A_254 {strides = array<i32>} : memref<6656x128xi32, #tpu.memory_space<vmem>>, vector<8x128xi32>,
    %slice3A_258 = vector.extract_strided_slice %or3A {offsets = [0, 3968], sizes = [96, 128], strides = [1, 1]} : vector<96x8192xi32> to vector<96x128xi32>
    %swap3A_259 = arith.constant 3224 : index
    %swap3A_260 = arith.constant 0 : index
    %swap3A_261 = vector.load %arg5[%swap3A_259, %swap3A_260] : memref<6656x128xi32, #tpu.memory_space<vmem>>, vector<96x128xi32>
    tpu.vector_store %arg5[%swap3A_259, %swap3A_260], %slice3A_258 {strides = array<i32>} : memref<6656x128xi32, #tpu.memory_space<vmem>>, vector<96x128xi32>,
    %slice3A_262 = vector.extract_strided_slice %or3A_10 {offsets = [0, 3968], sizes = [8, 128], strides = [1, 1]} : vector<8x8192xi32> to vector<8x128xi32>
    %swap3A_263 = arith.constant 3320 : index
    %swap3A_264 = arith.constant 0 : index
    %swap3A_265 = vector.load %arg5[%swap3A_263, %swap3A_264] : memref<6656x128xi32, #tpu.memory_space<vmem>>, vector<8x128xi32>
    tpu.vector_store %arg5[%swap3A_263, %swap3A_264], %slice3A_262 {strides = array<i32>} : memref<6656x128xi32, #tpu.memory_space<vmem>>, vector<8x128xi32>,
    %slice3A_266 = vector.extract_strided_slice %or3A {offsets = [0, 4096], sizes = [96, 128], strides = [1, 1]} : vector<96x8192xi32> to vector<96x128xi32>
    %swap3A_267 = arith.constant 3328 : index
    %swap3A_268 = arith.constant 0 : index
    %swap3A_269 = vector.load %arg5[%swap3A_267, %swap3A_268] : memref<6656x128xi32, #tpu.memory_space<vmem>>, vector<96x128xi32>
    tpu.vector_store %arg5[%swap3A_267, %swap3A_268], %slice3A_266 {strides = array<i32>} : memref<6656x128xi32, #tpu.memory_space<vmem>>, vector<96x128xi32>,
    %slice3A_270 = vector.extract_strided_slice %or3A_10 {offsets = [0, 4096], sizes = [8, 128], strides = [1, 1]} : vector<8x8192xi32> to vector<8x128xi32>
    %swap3A_271 = arith.constant 3424 : index
    %swap3A_272 = arith.constant 0 : index
    %swap3A_273 = vector.load %arg5[%swap3A_271, %swap3A_272] : memref<6656x128xi32, #tpu.memory_space<vmem>>, vector<8x128xi32>
    tpu.vector_store %arg5[%swap3A_271, %swap3A_272], %slice3A_270 {strides = array<i32>} : memref<6656x128xi32, #tpu.memory_space<vmem>>, vector<8x128xi32>,
    %slice3A_274 = vector.extract_strided_slice %or3A {offsets = [0, 4224], sizes = [96, 128], strides = [1, 1]} : vector<96x8192xi32> to vector<96x128xi32>
    %swap3A_275 = arith.constant 3432 : index
    %swap3A_276 = arith.constant 0 : index
    %swap3A_277 = vector.load %arg5[%swap3A_275, %swap3A_276] : memref<6656x128xi32, #tpu.memory_space<vmem>>, vector<96x128xi32>
    tpu.vector_store %arg5[%swap3A_275, %swap3A_276], %slice3A_274 {strides = array<i32>} : memref<6656x128xi32, #tpu.memory_space<vmem>>, vector<96x128xi32>,
    %slice3A_278 = vector.extract_strided_slice %or3A_10 {offsets = [0, 4224], sizes = [8, 128], strides = [1, 1]} : vector<8x8192xi32> to vector<8x128xi32>
    %swap3A_279 = arith.constant 3528 : index
    %swap3A_280 = arith.constant 0 : index
    %swap3A_281 = vector.load %arg5[%swap3A_279, %swap3A_280] : memref<6656x128xi32, #tpu.memory_space<vmem>>, vector<8x128xi32>
    tpu.vector_store %arg5[%swap3A_279, %swap3A_280], %slice3A_278 {strides = array<i32>} : memref<6656x128xi32, #tpu.memory_space<vmem>>, vector<8x128xi32>,
    %slice3A_282 = vector.extract_strided_slice %or3A {offsets = [0, 4352], sizes = [96, 128], strides = [1, 1]} : vector<96x8192xi32> to vector<96x128xi32>
    %swap3A_283 = arith.constant 3536 : index
    %swap3A_284 = arith.constant 0 : index
    %swap3A_285 = vector.load %arg5[%swap3A_283, %swap3A_284] : memref<6656x128xi32, #tpu.memory_space<vmem>>, vector<96x128xi32>
    tpu.vector_store %arg5[%swap3A_283, %swap3A_284], %slice3A_282 {strides = array<i32>} : memref<6656x128xi32, #tpu.memory_space<vmem>>, vector<96x128xi32>,
    %slice3A_286 = vector.extract_strided_slice %or3A_10 {offsets = [0, 4352], sizes = [8, 128], strides = [1, 1]} : vector<8x8192xi32> to vector<8x128xi32>
    %swap3A_287 = arith.constant 3632 : index
    %swap3A_288 = arith.constant 0 : index
    %swap3A_289 = vector.load %arg5[%swap3A_287, %swap3A_288] : memref<6656x128xi32, #tpu.memory_space<vmem>>, vector<8x128xi32>
    tpu.vector_store %arg5[%swap3A_287, %swap3A_288], %slice3A_286 {strides = array<i32>} : memref<6656x128xi32, #tpu.memory_space<vmem>>, vector<8x128xi32>,
    %slice3A_290 = vector.extract_strided_slice %or3A {offsets = [0, 4480], sizes = [96, 128], strides = [1, 1]} : vector<96x8192xi32> to vector<96x128xi32>
    %swap3A_291 = arith.constant 3640 : index
    %swap3A_292 = arith.constant 0 : index
    %swap3A_293 = vector.load %arg5[%swap3A_291, %swap3A_292] : memref<6656x128xi32, #tpu.memory_space<vmem>>, vector<96x128xi32>
    tpu.vector_store %arg5[%swap3A_291, %swap3A_292], %slice3A_290 {strides = array<i32>} : memref<6656x128xi32, #tpu.memory_space<vmem>>, vector<96x128xi32>,
    %slice3A_294 = vector.extract_strided_slice %or3A_10 {offsets = [0, 4480], sizes = [8, 128], strides = [1, 1]} : vector<8x8192xi32> to vector<8x128xi32>
    %swap3A_295 = arith.constant 3736 : index
    %swap3A_296 = arith.constant 0 : index
    %swap3A_297 = vector.load %arg5[%swap3A_295, %swap3A_296] : memref<6656x128xi32, #tpu.memory_space<vmem>>, vector<8x128xi32>
    tpu.vector_store %arg5[%swap3A_295, %swap3A_296], %slice3A_294 {strides = array<i32>} : memref<6656x128xi32, #tpu.memory_space<vmem>>, vector<8x128xi32>,
    %slice3A_298 = vector.extract_strided_slice %or3A {offsets = [0, 4608], sizes = [96, 128], strides = [1, 1]} : vector<96x8192xi32> to vector<96x128xi32>
    %swap3A_299 = arith.constant 3744 : index
    %swap3A_300 = arith.constant 0 : index
    %swap3A_301 = vector.load %arg5[%swap3A_299, %swap3A_300] : memref<6656x128xi32, #tpu.memory_space<vmem>>, vector<96x128xi32>
    tpu.vector_store %arg5[%swap3A_299, %swap3A_300], %slice3A_298 {strides = array<i32>} : memref<6656x128xi32, #tpu.memory_space<vmem>>, vector<96x128xi32>,
    %slice3A_302 = vector.extract_strided_slice %or3A_10 {offsets = [0, 4608], sizes = [8, 128], strides = [1, 1]} : vector<8x8192xi32> to vector<8x128xi32>
    %swap3A_303 = arith.constant 3840 : index
    %swap3A_304 = arith.constant 0 : index
    %swap3A_305 = vector.load %arg5[%swap3A_303, %swap3A_304] : memref<6656x128xi32, #tpu.memory_space<vmem>>, vector<8x128xi32>
    tpu.vector_store %arg5[%swap3A_303, %swap3A_304], %slice3A_302 {strides = array<i32>} : memref<6656x128xi32, #tpu.memory_space<vmem>>, vector<8x128xi32>,
    %slice3A_306 = vector.extract_strided_slice %or3A {offsets = [0, 4736], sizes = [96, 128], strides = [1, 1]} : vector<96x8192xi32> to vector<96x128xi32>
    %swap3A_307 = arith.constant 3848 : index
    %swap3A_308 = arith.constant 0 : index
    %swap3A_309 = vector.load %arg5[%swap3A_307, %swap3A_308] : memref<6656x128xi32, #tpu.memory_space<vmem>>, vector<96x128xi32>
    tpu.vector_store %arg5[%swap3A_307, %swap3A_308], %slice3A_306 {strides = array<i32>} : memref<6656x128xi32, #tpu.memory_space<vmem>>, vector<96x128xi32>,
    %slice3A_310 = vector.extract_strided_slice %or3A_10 {offsets = [0, 4736], sizes = [8, 128], strides = [1, 1]} : vector<8x8192xi32> to vector<8x128xi32>
    %swap3A_311 = arith.constant 3944 : index
    %swap3A_312 = arith.constant 0 : index
    %swap3A_313 = vector.load %arg5[%swap3A_311, %swap3A_312] : memref<6656x128xi32, #tpu.memory_space<vmem>>, vector<8x128xi32>
    tpu.vector_store %arg5[%swap3A_311, %swap3A_312], %slice3A_310 {strides = array<i32>} : memref<6656x128xi32, #tpu.memory_space<vmem>>, vector<8x128xi32>,
    %slice3A_314 = vector.extract_strided_slice %or3A {offsets = [0, 4864], sizes = [96, 128], strides = [1, 1]} : vector<96x8192xi32> to vector<96x128xi32>
    %swap3A_315 = arith.constant 3952 : index
    %swap3A_316 = arith.constant 0 : index
    %swap3A_317 = vector.load %arg5[%swap3A_315, %swap3A_316] : memref<6656x128xi32, #tpu.memory_space<vmem>>, vector<96x128xi32>
    tpu.vector_store %arg5[%swap3A_315, %swap3A_316], %slice3A_314 {strides = array<i32>} : memref<6656x128xi32, #tpu.memory_space<vmem>>, vector<96x128xi32>,
    %slice3A_318 = vector.extract_strided_slice %or3A_10 {offsets = [0, 4864], sizes = [8, 128], strides = [1, 1]} : vector<8x8192xi32> to vector<8x128xi32>
    %swap3A_319 = arith.constant 4048 : index
    %swap3A_320 = arith.constant 0 : index
    %swap3A_321 = vector.load %arg5[%swap3A_319, %swap3A_320] : memref<6656x128xi32, #tpu.memory_space<vmem>>, vector<8x128xi32>
    tpu.vector_store %arg5[%swap3A_319, %swap3A_320], %slice3A_318 {strides = array<i32>} : memref<6656x128xi32, #tpu.memory_space<vmem>>, vector<8x128xi32>,
    %slice3A_322 = vector.extract_strided_slice %or3A {offsets = [0, 4992], sizes = [96, 128], strides = [1, 1]} : vector<96x8192xi32> to vector<96x128xi32>
    %swap3A_323 = arith.constant 4056 : index
    %swap3A_324 = arith.constant 0 : index
    %swap3A_325 = vector.load %arg5[%swap3A_323, %swap3A_324] : memref<6656x128xi32, #tpu.memory_space<vmem>>, vector<96x128xi32>
    tpu.vector_store %arg5[%swap3A_323, %swap3A_324], %slice3A_322 {strides = array<i32>} : memref<6656x128xi32, #tpu.memory_space<vmem>>, vector<96x128xi32>,
    %slice3A_326 = vector.extract_strided_slice %or3A_10 {offsets = [0, 4992], sizes = [8, 128], strides = [1, 1]} : vector<8x8192xi32> to vector<8x128xi32>
    %swap3A_327 = arith.constant 4152 : index
    %swap3A_328 = arith.constant 0 : index
    %swap3A_329 = vector.load %arg5[%swap3A_327, %swap3A_328] : memref<6656x128xi32, #tpu.memory_space<vmem>>, vector<8x128xi32>
    tpu.vector_store %arg5[%swap3A_327, %swap3A_328], %slice3A_326 {strides = array<i32>} : memref<6656x128xi32, #tpu.memory_space<vmem>>, vector<8x128xi32>,
    %slice3A_330 = vector.extract_strided_slice %or3A {offsets = [0, 5120], sizes = [96, 128], strides = [1, 1]} : vector<96x8192xi32> to vector<96x128xi32>
    %swap3A_331 = arith.constant 4160 : index
    %swap3A_332 = arith.constant 0 : index
    %swap3A_333 = vector.load %arg5[%swap3A_331, %swap3A_332] : memref<6656x128xi32, #tpu.memory_space<vmem>>, vector<96x128xi32>
    tpu.vector_store %arg5[%swap3A_331, %swap3A_332], %slice3A_330 {strides = array<i32>} : memref<6656x128xi32, #tpu.memory_space<vmem>>, vector<96x128xi32>,
    %slice3A_334 = vector.extract_strided_slice %or3A_10 {offsets = [0, 5120], sizes = [8, 128], strides = [1, 1]} : vector<8x8192xi32> to vector<8x128xi32>
    %swap3A_335 = arith.constant 4256 : index
    %swap3A_336 = arith.constant 0 : index
    %swap3A_337 = vector.load %arg5[%swap3A_335, %swap3A_336] : memref<6656x128xi32, #tpu.memory_space<vmem>>, vector<8x128xi32>
    tpu.vector_store %arg5[%swap3A_335, %swap3A_336], %slice3A_334 {strides = array<i32>} : memref<6656x128xi32, #tpu.memory_space<vmem>>, vector<8x128xi32>,
    %slice3A_338 = vector.extract_strided_slice %or3A {offsets = [0, 5248], sizes = [96, 128], strides = [1, 1]} : vector<96x8192xi32> to vector<96x128xi32>
    %swap3A_339 = arith.constant 4264 : index
    %swap3A_340 = arith.constant 0 : index
    %swap3A_341 = vector.load %arg5[%swap3A_339, %swap3A_340] : memref<6656x128xi32, #tpu.memory_space<vmem>>, vector<96x128xi32>
    tpu.vector_store %arg5[%swap3A_339, %swap3A_340], %slice3A_338 {strides = array<i32>} : memref<6656x128xi32, #tpu.memory_space<vmem>>, vector<96x128xi32>,
    %slice3A_342 = vector.extract_strided_slice %or3A_10 {offsets = [0, 5248], sizes = [8, 128], strides = [1, 1]} : vector<8x8192xi32> to vector<8x128xi32>
    %swap3A_343 = arith.constant 4360 : index
    %swap3A_344 = arith.constant 0 : index
    %swap3A_345 = vector.load %arg5[%swap3A_343, %swap3A_344] : memref<6656x128xi32, #tpu.memory_space<vmem>>, vector<8x128xi32>
    tpu.vector_store %arg5[%swap3A_343, %swap3A_344], %slice3A_342 {strides = array<i32>} : memref<6656x128xi32, #tpu.memory_space<vmem>>, vector<8x128xi32>,
    %slice3A_346 = vector.extract_strided_slice %or3A {offsets = [0, 5376], sizes = [96, 128], strides = [1, 1]} : vector<96x8192xi32> to vector<96x128xi32>
    %swap3A_347 = arith.constant 4368 : index
    %swap3A_348 = arith.constant 0 : index
    %swap3A_349 = vector.load %arg5[%swap3A_347, %swap3A_348] : memref<6656x128xi32, #tpu.memory_space<vmem>>, vector<96x128xi32>
    tpu.vector_store %arg5[%swap3A_347, %swap3A_348], %slice3A_346 {strides = array<i32>} : memref<6656x128xi32, #tpu.memory_space<vmem>>, vector<96x128xi32>,
    %slice3A_350 = vector.extract_strided_slice %or3A_10 {offsets = [0, 5376], sizes = [8, 128], strides = [1, 1]} : vector<8x8192xi32> to vector<8x128xi32>
    %swap3A_351 = arith.constant 4464 : index
    %swap3A_352 = arith.constant 0 : index
    %swap3A_353 = vector.load %arg5[%swap3A_351, %swap3A_352] : memref<6656x128xi32, #tpu.memory_space<vmem>>, vector<8x128xi32>
    tpu.vector_store %arg5[%swap3A_351, %swap3A_352], %slice3A_350 {strides = array<i32>} : memref<6656x128xi32, #tpu.memory_space<vmem>>, vector<8x128xi32>,
    %slice3A_354 = vector.extract_strided_slice %or3A {offsets = [0, 5504], sizes = [96, 128], strides = [1, 1]} : vector<96x8192xi32> to vector<96x128xi32>
    %swap3A_355 = arith.constant 4472 : index
    %swap3A_356 = arith.constant 0 : index
    %swap3A_357 = vector.load %arg5[%swap3A_355, %swap3A_356] : memref<6656x128xi32, #tpu.memory_space<vmem>>, vector<96x128xi32>
    tpu.vector_store %arg5[%swap3A_355, %swap3A_356], %slice3A_354 {strides = array<i32>} : memref<6656x128xi32, #tpu.memory_space<vmem>>, vector<96x128xi32>,
    %slice3A_358 = vector.extract_strided_slice %or3A_10 {offsets = [0, 5504], sizes = [8, 128], strides = [1, 1]} : vector<8x8192xi32> to vector<8x128xi32>
    %swap3A_359 = arith.constant 4568 : index
    %swap3A_360 = arith.constant 0 : index
    %swap3A_361 = vector.load %arg5[%swap3A_359, %swap3A_360] : memref<6656x128xi32, #tpu.memory_space<vmem>>, vector<8x128xi32>
    tpu.vector_store %arg5[%swap3A_359, %swap3A_360], %slice3A_358 {strides = array<i32>} : memref<6656x128xi32, #tpu.memory_space<vmem>>, vector<8x128xi32>,
    %slice3A_362 = vector.extract_strided_slice %or3A {offsets = [0, 5632], sizes = [96, 128], strides = [1, 1]} : vector<96x8192xi32> to vector<96x128xi32>
    %swap3A_363 = arith.constant 4576 : index
    %swap3A_364 = arith.constant 0 : index
    %swap3A_365 = vector.load %arg5[%swap3A_363, %swap3A_364] : memref<6656x128xi32, #tpu.memory_space<vmem>>, vector<96x128xi32>
    tpu.vector_store %arg5[%swap3A_363, %swap3A_364], %slice3A_362 {strides = array<i32>} : memref<6656x128xi32, #tpu.memory_space<vmem>>, vector<96x128xi32>,
    %slice3A_366 = vector.extract_strided_slice %or3A_10 {offsets = [0, 5632], sizes = [8, 128], strides = [1, 1]} : vector<8x8192xi32> to vector<8x128xi32>
    %swap3A_367 = arith.constant 4672 : index
    %swap3A_368 = arith.constant 0 : index
    %swap3A_369 = vector.load %arg5[%swap3A_367, %swap3A_368] : memref<6656x128xi32, #tpu.memory_space<vmem>>, vector<8x128xi32>
    tpu.vector_store %arg5[%swap3A_367, %swap3A_368], %slice3A_366 {strides = array<i32>} : memref<6656x128xi32, #tpu.memory_space<vmem>>, vector<8x128xi32>,
    %slice3A_370 = vector.extract_strided_slice %or3A {offsets = [0, 5760], sizes = [96, 128], strides = [1, 1]} : vector<96x8192xi32> to vector<96x128xi32>
    %swap3A_371 = arith.constant 4680 : index
    %swap3A_372 = arith.constant 0 : index
    %swap3A_373 = vector.load %arg5[%swap3A_371, %swap3A_372] : memref<6656x128xi32, #tpu.memory_space<vmem>>, vector<96x128xi32>
    tpu.vector_store %arg5[%swap3A_371, %swap3A_372], %slice3A_370 {strides = array<i32>} : memref<6656x128xi32, #tpu.memory_space<vmem>>, vector<96x128xi32>,
    %slice3A_374 = vector.extract_strided_slice %or3A_10 {offsets = [0, 5760], sizes = [8, 128], strides = [1, 1]} : vector<8x8192xi32> to vector<8x128xi32>
    %swap3A_375 = arith.constant 4776 : index
    %swap3A_376 = arith.constant 0 : index
    %swap3A_377 = vector.load %arg5[%swap3A_375, %swap3A_376] : memref<6656x128xi32, #tpu.memory_space<vmem>>, vector<8x128xi32>
    tpu.vector_store %arg5[%swap3A_375, %swap3A_376], %slice3A_374 {strides = array<i32>} : memref<6656x128xi32, #tpu.memory_space<vmem>>, vector<8x128xi32>,
    %slice3A_378 = vector.extract_strided_slice %or3A {offsets = [0, 5888], sizes = [96, 128], strides = [1, 1]} : vector<96x8192xi32> to vector<96x128xi32>
    %swap3A_379 = arith.constant 4784 : index
    %swap3A_380 = arith.constant 0 : index
    %swap3A_381 = vector.load %arg5[%swap3A_379, %swap3A_380] : memref<6656x128xi32, #tpu.memory_space<vmem>>, vector<96x128xi32>
    tpu.vector_store %arg5[%swap3A_379, %swap3A_380], %slice3A_378 {strides = array<i32>} : memref<6656x128xi32, #tpu.memory_space<vmem>>, vector<96x128xi32>,
    %slice3A_382 = vector.extract_strided_slice %or3A_10 {offsets = [0, 5888], sizes = [8, 128], strides = [1, 1]} : vector<8x8192xi32> to vector<8x128xi32>
    %swap3A_383 = arith.constant 4880 : index
    %swap3A_384 = arith.constant 0 : index
    %swap3A_385 = vector.load %arg5[%swap3A_383, %swap3A_384] : memref<6656x128xi32, #tpu.memory_space<vmem>>, vector<8x128xi32>
    tpu.vector_store %arg5[%swap3A_383, %swap3A_384], %slice3A_382 {strides = array<i32>} : memref<6656x128xi32, #tpu.memory_space<vmem>>, vector<8x128xi32>,
    %slice3A_386 = vector.extract_strided_slice %or3A {offsets = [0, 6016], sizes = [96, 128], strides = [1, 1]} : vector<96x8192xi32> to vector<96x128xi32>
    %swap3A_387 = arith.constant 4888 : index
    %swap3A_388 = arith.constant 0 : index
    %swap3A_389 = vector.load %arg5[%swap3A_387, %swap3A_388] : memref<6656x128xi32, #tpu.memory_space<vmem>>, vector<96x128xi32>
    tpu.vector_store %arg5[%swap3A_387, %swap3A_388], %slice3A_386 {strides = array<i32>} : memref<6656x128xi32, #tpu.memory_space<vmem>>, vector<96x128xi32>,
    %slice3A_390 = vector.extract_strided_slice %or3A_10 {offsets = [0, 6016], sizes = [8, 128], strides = [1, 1]} : vector<8x8192xi32> to vector<8x128xi32>
    %swap3A_391 = arith.constant 4984 : index
    %swap3A_392 = arith.constant 0 : index
    %swap3A_393 = vector.load %arg5[%swap3A_391, %swap3A_392] : memref<6656x128xi32, #tpu.memory_space<vmem>>, vector<8x128xi32>
    tpu.vector_store %arg5[%swap3A_391, %swap3A_392], %slice3A_390 {strides = array<i32>} : memref<6656x128xi32, #tpu.memory_space<vmem>>, vector<8x128xi32>,
    %slice3A_394 = vector.extract_strided_slice %or3A {offsets = [0, 6144], sizes = [96, 128], strides = [1, 1]} : vector<96x8192xi32> to vector<96x128xi32>
    %swap3A_395 = arith.constant 4992 : index
    %swap3A_396 = arith.constant 0 : index
    %swap3A_397 = vector.load %arg5[%swap3A_395, %swap3A_396] : memref<6656x128xi32, #tpu.memory_space<vmem>>, vector<96x128xi32>
    tpu.vector_store %arg5[%swap3A_395, %swap3A_396], %slice3A_394 {strides = array<i32>} : memref<6656x128xi32, #tpu.memory_space<vmem>>, vector<96x128xi32>,
    %slice3A_398 = vector.extract_strided_slice %or3A_10 {offsets = [0, 6144], sizes = [8, 128], strides = [1, 1]} : vector<8x8192xi32> to vector<8x128xi32>
    %swap3A_399 = arith.constant 5088 : index
    %swap3A_400 = arith.constant 0 : index
    %swap3A_401 = vector.load %arg5[%swap3A_399, %swap3A_400] : memref<6656x128xi32, #tpu.memory_space<vmem>>, vector<8x128xi32>
    tpu.vector_store %arg5[%swap3A_399, %swap3A_400], %slice3A_398 {strides = array<i32>} : memref<6656x128xi32, #tpu.memory_space<vmem>>, vector<8x128xi32>,
    %slice3A_402 = vector.extract_strided_slice %or3A {offsets = [0, 6272], sizes = [96, 128], strides = [1, 1]} : vector<96x8192xi32> to vector<96x128xi32>
    %swap3A_403 = arith.constant 5096 : index
    %swap3A_404 = arith.constant 0 : index
    %swap3A_405 = vector.load %arg5[%swap3A_403, %swap3A_404] : memref<6656x128xi32, #tpu.memory_space<vmem>>, vector<96x128xi32>
    tpu.vector_store %arg5[%swap3A_403, %swap3A_404], %slice3A_402 {strides = array<i32>} : memref<6656x128xi32, #tpu.memory_space<vmem>>, vector<96x128xi32>,
    %slice3A_406 = vector.extract_strided_slice %or3A_10 {offsets = [0, 6272], sizes = [8, 128], strides = [1, 1]} : vector<8x8192xi32> to vector<8x128xi32>
    %swap3A_407 = arith.constant 5192 : index
    %swap3A_408 = arith.constant 0 : index
    %swap3A_409 = vector.load %arg5[%swap3A_407, %swap3A_408] : memref<6656x128xi32, #tpu.memory_space<vmem>>, vector<8x128xi32>
    tpu.vector_store %arg5[%swap3A_407, %swap3A_408], %slice3A_406 {strides = array<i32>} : memref<6656x128xi32, #tpu.memory_space<vmem>>, vector<8x128xi32>,
    %slice3A_410 = vector.extract_strided_slice %or3A {offsets = [0, 6400], sizes = [96, 128], strides = [1, 1]} : vector<96x8192xi32> to vector<96x128xi32>
    %swap3A_411 = arith.constant 5200 : index
    %swap3A_412 = arith.constant 0 : index
    %swap3A_413 = vector.load %arg5[%swap3A_411, %swap3A_412] : memref<6656x128xi32, #tpu.memory_space<vmem>>, vector<96x128xi32>
    tpu.vector_store %arg5[%swap3A_411, %swap3A_412], %slice3A_410 {strides = array<i32>} : memref<6656x128xi32, #tpu.memory_space<vmem>>, vector<96x128xi32>,
    %slice3A_414 = vector.extract_strided_slice %or3A_10 {offsets = [0, 6400], sizes = [8, 128], strides = [1, 1]} : vector<8x8192xi32> to vector<8x128xi32>
    %swap3A_415 = arith.constant 5296 : index
    %swap3A_416 = arith.constant 0 : index
    %swap3A_417 = vector.load %arg5[%swap3A_415, %swap3A_416] : memref<6656x128xi32, #tpu.memory_space<vmem>>, vector<8x128xi32>
    tpu.vector_store %arg5[%swap3A_415, %swap3A_416], %slice3A_414 {strides = array<i32>} : memref<6656x128xi32, #tpu.memory_space<vmem>>, vector<8x128xi32>,
    %slice3A_418 = vector.extract_strided_slice %or3A {offsets = [0, 6528], sizes = [96, 128], strides = [1, 1]} : vector<96x8192xi32> to vector<96x128xi32>
    %swap3A_419 = arith.constant 5304 : index
    %swap3A_420 = arith.constant 0 : index
    %swap3A_421 = vector.load %arg5[%swap3A_419, %swap3A_420] : memref<6656x128xi32, #tpu.memory_space<vmem>>, vector<96x128xi32>
    tpu.vector_store %arg5[%swap3A_419, %swap3A_420], %slice3A_418 {strides = array<i32>} : memref<6656x128xi32, #tpu.memory_space<vmem>>, vector<96x128xi32>,
    %slice3A_422 = vector.extract_strided_slice %or3A_10 {offsets = [0, 6528], sizes = [8, 128], strides = [1, 1]} : vector<8x8192xi32> to vector<8x128xi32>
    %swap3A_423 = arith.constant 5400 : index
    %swap3A_424 = arith.constant 0 : index
    %swap3A_425 = vector.load %arg5[%swap3A_423, %swap3A_424] : memref<6656x128xi32, #tpu.memory_space<vmem>>, vector<8x128xi32>
    tpu.vector_store %arg5[%swap3A_423, %swap3A_424], %slice3A_422 {strides = array<i32>} : memref<6656x128xi32, #tpu.memory_space<vmem>>, vector<8x128xi32>,
    %slice3A_426 = vector.extract_strided_slice %or3A {offsets = [0, 6656], sizes = [96, 128], strides = [1, 1]} : vector<96x8192xi32> to vector<96x128xi32>
    %swap3A_427 = arith.constant 5408 : index
    %swap3A_428 = arith.constant 0 : index
    %swap3A_429 = vector.load %arg5[%swap3A_427, %swap3A_428] : memref<6656x128xi32, #tpu.memory_space<vmem>>, vector<96x128xi32>
    tpu.vector_store %arg5[%swap3A_427, %swap3A_428], %slice3A_426 {strides = array<i32>} : memref<6656x128xi32, #tpu.memory_space<vmem>>, vector<96x128xi32>,
    %slice3A_430 = vector.extract_strided_slice %or3A_10 {offsets = [0, 6656], sizes = [8, 128], strides = [1, 1]} : vector<8x8192xi32> to vector<8x128xi32>
    %swap3A_431 = arith.constant 5504 : index
    %swap3A_432 = arith.constant 0 : index
    %swap3A_433 = vector.load %arg5[%swap3A_431, %swap3A_432] : memref<6656x128xi32, #tpu.memory_space<vmem>>, vector<8x128xi32>
    tpu.vector_store %arg5[%swap3A_431, %swap3A_432], %slice3A_430 {strides = array<i32>} : memref<6656x128xi32, #tpu.memory_space<vmem>>, vector<8x128xi32>,
    %slice3A_434 = vector.extract_strided_slice %or3A {offsets = [0, 6784], sizes = [96, 128], strides = [1, 1]} : vector<96x8192xi32> to vector<96x128xi32>
    %swap3A_435 = arith.constant 5512 : index
    %swap3A_436 = arith.constant 0 : index
    %swap3A_437 = vector.load %arg5[%swap3A_435, %swap3A_436] : memref<6656x128xi32, #tpu.memory_space<vmem>>, vector<96x128xi32>
    tpu.vector_store %arg5[%swap3A_435, %swap3A_436], %slice3A_434 {strides = array<i32>} : memref<6656x128xi32, #tpu.memory_space<vmem>>, vector<96x128xi32>,
    %slice3A_438 = vector.extract_strided_slice %or3A_10 {offsets = [0, 6784], sizes = [8, 128], strides = [1, 1]} : vector<8x8192xi32> to vector<8x128xi32>
    %swap3A_439 = arith.constant 5608 : index
    %swap3A_440 = arith.constant 0 : index
    %swap3A_441 = vector.load %arg5[%swap3A_439, %swap3A_440] : memref<6656x128xi32, #tpu.memory_space<vmem>>, vector<8x128xi32>
    tpu.vector_store %arg5[%swap3A_439, %swap3A_440], %slice3A_438 {strides = array<i32>} : memref<6656x128xi32, #tpu.memory_space<vmem>>, vector<8x128xi32>,
    %slice3A_442 = vector.extract_strided_slice %or3A {offsets = [0, 6912], sizes = [96, 128], strides = [1, 1]} : vector<96x8192xi32> to vector<96x128xi32>
    %swap3A_443 = arith.constant 5616 : index
    %swap3A_444 = arith.constant 0 : index
    %swap3A_445 = vector.load %arg5[%swap3A_443, %swap3A_444] : memref<6656x128xi32, #tpu.memory_space<vmem>>, vector<96x128xi32>
    tpu.vector_store %arg5[%swap3A_443, %swap3A_444], %slice3A_442 {strides = array<i32>} : memref<6656x128xi32, #tpu.memory_space<vmem>>, vector<96x128xi32>,
    %slice3A_446 = vector.extract_strided_slice %or3A_10 {offsets = [0, 6912], sizes = [8, 128], strides = [1, 1]} : vector<8x8192xi32> to vector<8x128xi32>
    %swap3A_447 = arith.constant 5712 : index
    %swap3A_448 = arith.constant 0 : index
    %swap3A_449 = vector.load %arg5[%swap3A_447, %swap3A_448] : memref<6656x128xi32, #tpu.memory_space<vmem>>, vector<8x128xi32>
    tpu.vector_store %arg5[%swap3A_447, %swap3A_448], %slice3A_446 {strides = array<i32>} : memref<6656x128xi32, #tpu.memory_space<vmem>>, vector<8x128xi32>,
    %slice3A_450 = vector.extract_strided_slice %or3A {offsets = [0, 7040], sizes = [96, 128], strides = [1, 1]} : vector<96x8192xi32> to vector<96x128xi32>
    %swap3A_451 = arith.constant 5720 : index
    %swap3A_452 = arith.constant 0 : index
    %swap3A_453 = vector.load %arg5[%swap3A_451, %swap3A_452] : memref<6656x128xi32, #tpu.memory_space<vmem>>, vector<96x128xi32>
    tpu.vector_store %arg5[%swap3A_451, %swap3A_452], %slice3A_450 {strides = array<i32>} : memref<6656x128xi32, #tpu.memory_space<vmem>>, vector<96x128xi32>,
    %slice3A_454 = vector.extract_strided_slice %or3A_10 {offsets = [0, 7040], sizes = [8, 128], strides = [1, 1]} : vector<8x8192xi32> to vector<8x128xi32>
    %swap3A_455 = arith.constant 5816 : index
    %swap3A_456 = arith.constant 0 : index
    %swap3A_457 = vector.load %arg5[%swap3A_455, %swap3A_456] : memref<6656x128xi32, #tpu.memory_space<vmem>>, vector<8x128xi32>
    tpu.vector_store %arg5[%swap3A_455, %swap3A_456], %slice3A_454 {strides = array<i32>} : memref<6656x128xi32, #tpu.memory_space<vmem>>, vector<8x128xi32>,
    %slice3A_458 = vector.extract_strided_slice %or3A {offsets = [0, 7168], sizes = [96, 128], strides = [1, 1]} : vector<96x8192xi32> to vector<96x128xi32>
    %swap3A_459 = arith.constant 5824 : index
    %swap3A_460 = arith.constant 0 : index
    %swap3A_461 = vector.load %arg5[%swap3A_459, %swap3A_460] : memref<6656x128xi32, #tpu.memory_space<vmem>>, vector<96x128xi32>
    tpu.vector_store %arg5[%swap3A_459, %swap3A_460], %slice3A_458 {strides = array<i32>} : memref<6656x128xi32, #tpu.memory_space<vmem>>, vector<96x128xi32>,
    %slice3A_462 = vector.extract_strided_slice %or3A_10 {offsets = [0, 7168], sizes = [8, 128], strides = [1, 1]} : vector<8x8192xi32> to vector<8x128xi32>
    %swap3A_463 = arith.constant 5920 : index
    %swap3A_464 = arith.constant 0 : index
    %swap3A_465 = vector.load %arg5[%swap3A_463, %swap3A_464] : memref<6656x128xi32, #tpu.memory_space<vmem>>, vector<8x128xi32>
    tpu.vector_store %arg5[%swap3A_463, %swap3A_464], %slice3A_462 {strides = array<i32>} : memref<6656x128xi32, #tpu.memory_space<vmem>>, vector<8x128xi32>,
    %slice3A_466 = vector.extract_strided_slice %or3A {offsets = [0, 7296], sizes = [96, 128], strides = [1, 1]} : vector<96x8192xi32> to vector<96x128xi32>
    %swap3A_467 = arith.constant 5928 : index
    %swap3A_468 = arith.constant 0 : index
    %swap3A_469 = vector.load %arg5[%swap3A_467, %swap3A_468] : memref<6656x128xi32, #tpu.memory_space<vmem>>, vector<96x128xi32>
    tpu.vector_store %arg5[%swap3A_467, %swap3A_468], %slice3A_466 {strides = array<i32>} : memref<6656x128xi32, #tpu.memory_space<vmem>>, vector<96x128xi32>,
    %slice3A_470 = vector.extract_strided_slice %or3A_10 {offsets = [0, 7296], sizes = [8, 128], strides = [1, 1]} : vector<8x8192xi32> to vector<8x128xi32>
    %swap3A_471 = arith.constant 6024 : index
    %swap3A_472 = arith.constant 0 : index
    %swap3A_473 = vector.load %arg5[%swap3A_471, %swap3A_472] : memref<6656x128xi32, #tpu.memory_space<vmem>>, vector<8x128xi32>
    tpu.vector_store %arg5[%swap3A_471, %swap3A_472], %slice3A_470 {strides = array<i32>} : memref<6656x128xi32, #tpu.memory_space<vmem>>, vector<8x128xi32>,
    %slice3A_474 = vector.extract_strided_slice %or3A {offsets = [0, 7424], sizes = [96, 128], strides = [1, 1]} : vector<96x8192xi32> to vector<96x128xi32>
    %swap3A_475 = arith.constant 6032 : index
    %swap3A_476 = arith.constant 0 : index
    %swap3A_477 = vector.load %arg5[%swap3A_475, %swap3A_476] : memref<6656x128xi32, #tpu.memory_space<vmem>>, vector<96x128xi32>
    tpu.vector_store %arg5[%swap3A_475, %swap3A_476], %slice3A_474 {strides = array<i32>} : memref<6656x128xi32, #tpu.memory_space<vmem>>, vector<96x128xi32>,
    %slice3A_478 = vector.extract_strided_slice %or3A_10 {offsets = [0, 7424], sizes = [8, 128], strides = [1, 1]} : vector<8x8192xi32> to vector<8x128xi32>
    %swap3A_479 = arith.constant 6128 : index
    %swap3A_480 = arith.constant 0 : index
    %swap3A_481 = vector.load %arg5[%swap3A_479, %swap3A_480] : memref<6656x128xi32, #tpu.memory_space<vmem>>, vector<8x128xi32>
    tpu.vector_store %arg5[%swap3A_479, %swap3A_480], %slice3A_478 {strides = array<i32>} : memref<6656x128xi32, #tpu.memory_space<vmem>>, vector<8x128xi32>,
    %slice3A_482 = vector.extract_strided_slice %or3A {offsets = [0, 7552], sizes = [96, 128], strides = [1, 1]} : vector<96x8192xi32> to vector<96x128xi32>
    %swap3A_483 = arith.constant 6136 : index
    %swap3A_484 = arith.constant 0 : index
    %swap3A_485 = vector.load %arg5[%swap3A_483, %swap3A_484] : memref<6656x128xi32, #tpu.memory_space<vmem>>, vector<96x128xi32>
    tpu.vector_store %arg5[%swap3A_483, %swap3A_484], %slice3A_482 {strides = array<i32>} : memref<6656x128xi32, #tpu.memory_space<vmem>>, vector<96x128xi32>,
    %slice3A_486 = vector.extract_strided_slice %or3A_10 {offsets = [0, 7552], sizes = [8, 128], strides = [1, 1]} : vector<8x8192xi32> to vector<8x128xi32>
    %swap3A_487 = arith.constant 6232 : index
    %swap3A_488 = arith.constant 0 : index
    %swap3A_489 = vector.load %arg5[%swap3A_487, %swap3A_488] : memref<6656x128xi32, #tpu.memory_space<vmem>>, vector<8x128xi32>
    tpu.vector_store %arg5[%swap3A_487, %swap3A_488], %slice3A_486 {strides = array<i32>} : memref<6656x128xi32, #tpu.memory_space<vmem>>, vector<8x128xi32>,
    %slice3A_490 = vector.extract_strided_slice %or3A {offsets = [0, 7680], sizes = [96, 128], strides = [1, 1]} : vector<96x8192xi32> to vector<96x128xi32>
    %swap3A_491 = arith.constant 6240 : index
    %swap3A_492 = arith.constant 0 : index
    %swap3A_493 = vector.load %arg5[%swap3A_491, %swap3A_492] : memref<6656x128xi32, #tpu.memory_space<vmem>>, vector<96x128xi32>
    tpu.vector_store %arg5[%swap3A_491, %swap3A_492], %slice3A_490 {strides = array<i32>} : memref<6656x128xi32, #tpu.memory_space<vmem>>, vector<96x128xi32>,
    %slice3A_494 = vector.extract_strided_slice %or3A_10 {offsets = [0, 7680], sizes = [8, 128], strides = [1, 1]} : vector<8x8192xi32> to vector<8x128xi32>
    %swap3A_495 = arith.constant 6336 : index
    %swap3A_496 = arith.constant 0 : index
    %swap3A_497 = vector.load %arg5[%swap3A_495, %swap3A_496] : memref<6656x128xi32, #tpu.memory_space<vmem>>, vector<8x128xi32>
    tpu.vector_store %arg5[%swap3A_495, %swap3A_496], %slice3A_494 {strides = array<i32>} : memref<6656x128xi32, #tpu.memory_space<vmem>>, vector<8x128xi32>,
    %slice3A_498 = vector.extract_strided_slice %or3A {offsets = [0, 7808], sizes = [96, 128], strides = [1, 1]} : vector<96x8192xi32> to vector<96x128xi32>
    %swap3A_499 = arith.constant 6344 : index
    %swap3A_500 = arith.constant 0 : index
    %swap3A_501 = vector.load %arg5[%swap3A_499, %swap3A_500] : memref<6656x128xi32, #tpu.memory_space<vmem>>, vector<96x128xi32>
    tpu.vector_store %arg5[%swap3A_499, %swap3A_500], %slice3A_498 {strides = array<i32>} : memref<6656x128xi32, #tpu.memory_space<vmem>>, vector<96x128xi32>,
    %slice3A_502 = vector.extract_strided_slice %or3A_10 {offsets = [0, 7808], sizes = [8, 128], strides = [1, 1]} : vector<8x8192xi32> to vector<8x128xi32>
    %swap3A_503 = arith.constant 6440 : index
    %swap3A_504 = arith.constant 0 : index
    %swap3A_505 = vector.load %arg5[%swap3A_503, %swap3A_504] : memref<6656x128xi32, #tpu.memory_space<vmem>>, vector<8x128xi32>
    tpu.vector_store %arg5[%swap3A_503, %swap3A_504], %slice3A_502 {strides = array<i32>} : memref<6656x128xi32, #tpu.memory_space<vmem>>, vector<8x128xi32>,
    %slice3A_506 = vector.extract_strided_slice %or3A {offsets = [0, 7936], sizes = [96, 128], strides = [1, 1]} : vector<96x8192xi32> to vector<96x128xi32>
    %swap3A_507 = arith.constant 6448 : index
    %swap3A_508 = arith.constant 0 : index
    %swap3A_509 = vector.load %arg5[%swap3A_507, %swap3A_508] : memref<6656x128xi32, #tpu.memory_space<vmem>>, vector<96x128xi32>
    tpu.vector_store %arg5[%swap3A_507, %swap3A_508], %slice3A_506 {strides = array<i32>} : memref<6656x128xi32, #tpu.memory_space<vmem>>, vector<96x128xi32>,
    %slice3A_510 = vector.extract_strided_slice %or3A_10 {offsets = [0, 7936], sizes = [8, 128], strides = [1, 1]} : vector<8x8192xi32> to vector<8x128xi32>
    %swap3A_511 = arith.constant 6544 : index
    %swap3A_512 = arith.constant 0 : index
    %swap3A_513 = vector.load %arg5[%swap3A_511, %swap3A_512] : memref<6656x128xi32, #tpu.memory_space<vmem>>, vector<8x128xi32>
    tpu.vector_store %arg5[%swap3A_511, %swap3A_512], %slice3A_510 {strides = array<i32>} : memref<6656x128xi32, #tpu.memory_space<vmem>>, vector<8x128xi32>,
    %slice3A_514 = vector.extract_strided_slice %or3A {offsets = [0, 8064], sizes = [96, 128], strides = [1, 1]} : vector<96x8192xi32> to vector<96x128xi32>
    %swap3A_515 = arith.constant 6552 : index
    %swap3A_516 = arith.constant 0 : index
    %swap3A_517 = vector.load %arg5[%swap3A_515, %swap3A_516] : memref<6656x128xi32, #tpu.memory_space<vmem>>, vector<96x128xi32>
    tpu.vector_store %arg5[%swap3A_515, %swap3A_516], %slice3A_514 {strides = array<i32>} : memref<6656x128xi32, #tpu.memory_space<vmem>>, vector<96x128xi32>,
    %slice3A_518 = vector.extract_strided_slice %or3A_10 {offsets = [0, 8064], sizes = [8, 128], strides = [1, 1]} : vector<8x8192xi32> to vector<8x128xi32>
    %swap3A_519 = arith.constant 6648 : index
    %swap3A_520 = arith.constant 0 : index
    %swap3A_521 = vector.load %arg5[%swap3A_519, %swap3A_520] : memref<6656x128xi32, #tpu.memory_space<vmem>>, vector<8x128xi32>
    tpu.vector_store %arg5[%swap3A_519, %swap3A_520], %slice3A_518 {strides = array<i32>} : memref<6656x128xi32, #tpu.memory_space<vmem>>, vector<8x128xi32>,
    return
  }
  func.func @transform_0(%arg0: i32) -> (i32, i32) {
    %c0_i32 = arith.constant 0 : i32
    %c0_i32_0 = arith.constant 0 : i32
    return %c0_i32, %arg0 : i32, i32
  }
  func.func @transform_1(%arg0: i32) -> (i32, i32) {
    %c0_i32 = arith.constant 0 : i32
    %c0_i32_0 = arith.constant 0 : i32
    %c0_i32_1 = arith.constant 0 : i32
    return %c0_i32, %c0_i32_0 : i32, i32
  }
  func.func @transform_2(%arg0: i32) -> (i32, i32) {
    %c0_i32 = arith.constant 0 : i32
    %c0_i32_0 = arith.constant 0 : i32
    %c0_i32_1 = arith.constant 0 : i32
    return %c0_i32, %c0_i32_0 : i32, i32
  }
  func.func @transform_3(%arg0: i32) -> i32 {
    %c0_i32 = arith.constant 0 : i32
    %c0_i32_0 = arith.constant 0 : i32
    return %c0_i32 : i32
  }
  func.func @transform_4(%arg0: i32) -> (i32, i32) {
    %c0_i32 = arith.constant 0 : i32
    %c0_i32_0 = arith.constant 0 : i32
    return %arg0, %c0_i32 : i32, i32
  }
  func.func @transform_5(%arg0: i32) -> i32 {
    %c0_i32 = arith.constant 0 : i32
    %c0_i32_0 = arith.constant 0 : i32
    return %c0_i32 : i32
  }
}

</mosaic_0001>

<sc_bundles>
// kernel: kernel.4.cloned.1.call-start
scs
__scs_entry_jumppad:
0x0: {  	(pc) =	sbr.rel $0x88, $3  }
0x1: {  	(tag) =	ssettag $0x0;
	lr =	simm.s32 $0x1  }
0x2: {  	[smem:$0x3F9D] =	sst lr;
	_ =	strace $0xD0000000  }
0x3: {  	_ = 	snop  }
0x4: {  	_ = 	snop  }
0x5: {  	_ = 	snop  }
0x6: {  	_ = 	snop  }
0x7: {  	_ = 	snop  }
__scs_overlays_trampoline_lowered:
0x8: {  	[smem:$0x3FAC] =	sst s0  }
0x9: {  	[smem:$0x3FAD] =	sst s1  }
0xa: {  	[smem:$0x3FAE] =	sst s2  }
0xb: {  	[smem:$0x3FAF] =	sst s3  }
0xc: {  	[smem:$0x3FB0] =	sst s4  }
0xd: {  	[smem:$0x3FB1] =	sst s5  }
0xe: {  	[smem:$0x3FB2] =	sst s6  }
0xf: {  	[smem:$0x3FB3] =	sst s7  }
0x10: {  	[smem:$0x3FB4] =	sst s8  }
0x11: {  	[smem:$0x3FB5] =	sst s9;
	s0 =	simm.s32 @!p0 $0x0  }
0x12: {  	s1 =	sld [smem:$0x3F9B];
	s0 =	simm.s32 @p0 $0x1  }
0x13: {  	[smem:$0x3FB6] =	sst s0;
	s0 =	simm.s32 @!p1 $0x0  }
0x14: {  	s2 =	sld [smem:$0x3F9A];
	s0 =	simm.s32 @p1 $0x1  }
0x15: {  	[smem:$0x3FB7] =	sst s0;
	s0 =	simm.s32 @!p2 $0x0  }
0x16: {  	s3 =	sld [smem:$0x3FDB];
	s0 =	simm.s32 @p2 $0x1  }
0x17: {  	s4 =	simm.s32 $0x1BF5;
	[smem:$0x3FB9] =	sst s0  }
0x18: {  	s0 =	sld [smem:$0x3F9C];
	_ =	swait.ge [sflag:s4], $0x0  }
0x19: {  	s7 =	sld [smem:$0x3F9D]  }
0x1a: {  	s8 =	sadd.s32 $0xFFFFE003, lr  }
0x1b: {  	s9 =	sadd.s32 $0xFFFFFEF7, lr;
	s5 =	simm.s32 $0xFFFFFFFF;
	p2 =	slt.u32 s8, $0xFFFFF086  }
0x1c: {  	p1 =	slt.u32 s9, $0xF7A;
	s5 =	simm.s32 @!p2 $0x0  }
0x1d: {  	s5 =	simm.s32 @p1 $0x1;
	p0 =	seq.s32 s7, s2  }
0x1e: {  	s7 =	smul.u32 @!p0 $0xF7A, s2;
	p2 =	seq.s32 @!p0 s5, $0x0  }
0x1f: {  	s9 =	smul.u32 $0xF7A, s1;
	s8 =	simm.s32 @!p0 $0x1BF5;
	p2 =	por !p2, p0  }
0x20: {  	[sflag:s8] =	ssyncset.s32 @!p0 $0xFFFFF086;
	s6 =	sadd.s32 @!p0 s3, s7;
	s7 =	simm.s32 @!p0 $0x108  }
0x21: {  	s3 =	sadd.s32 s3, s9;
	s6 =	sadd.s32 @!p0 $0x88, s6;
	s7 =	simm.s32 @p2 $0x1082  }
0x22: {  	[simem:s7], [sflag:s8] =	dma.local @!p0 [hbm:s6], $0xF7A  }
0x23: {  	s9 =	sor.u32 $0xD0000000, s2;
	s6 =	simm.s32 $0x108;
	_ =	swait.ge @!p0 [sflag:s8], $0x0  }
0x24: {  	s3 =	sadd.s32 $0x88, s3;
	s6 =	simm.s32 @!p1 $0x1082;
	[sflag:s4] =	ssyncset.s32 $0xFFFFF086  }
0x25: {  	[simem:s6], [sflag:s4] =	dma.local [hbm:s3], $0xF7A  }
0x26: {  	[smem:$0x3F9D] =	sst s1;
	(tag) =	ssettag s2;
	_ =	strace s9  }
0x27: {  	s1 =	sld [smem:$0x3FAD]  }
0x28: {  	s2 =	sld [smem:$0x3FAE]  }
0x29: {  	s4 =	sld [smem:$0x3FB0]  }
0x2a: {  	p0 =	seq.s32 s5, $0x0;
	s5 =	sld [smem:$0x3FB1]  }
0x2b: {  	s6 =	sld [smem:$0x3FB2]  }
0x2c: {  	s7 =	sld [smem:$0x3FB3]  }
0x2d: {  	s3 =	simm.s32 $0x108;
	s8 =	sld [smem:$0x3FB4]  }
0x2e: {  	s3 =	simm.s32 @!p0 $0x1082;
	s9 =	sld [smem:$0x3FB5]  }
0x2f: {  	lr =	sadd.s32 s0, s3;
	s0 =	sld [smem:$0x3FAC]  }
0x30: {  	s3 =	sld [smem:$0x3FAF]  }
0x31: {  	[smem:$0x3FB8] =	sst s10  }
0x32: {  	s10 =	sld [smem:$0x3FB6];
	_ =	sdelay $0x3  }
0x33: {  	p0 =	seq.s32 s10, $0x1;
	s10 =	sld [smem:$0x3FB8];
	_ =	sdelay $0x3  }
0x34: {  	[smem:$0x3FB8] =	sst s10  }
0x35: {  	s10 =	sld [smem:$0x3FB7];
	_ =	sdelay $0x3  }
0x36: {  	p1 =	seq.s32 s10, $0x1;
	s10 =	sld [smem:$0x3FB8];
	_ =	sdelay $0x3  }
0x37: {  	[smem:$0x3FB8] =	sst s10  }
0x38: {  	s10 =	sld [smem:$0x3FB9]  }
0x39: {  	_ = 	snop;
	(pc) =	sbr.ind lr, $3  }
0x3a: {  	_ = 	snop  }
0x3b: {  	_ = 	snop  }
0x3c: {  	p2 =	seq.s32 s10, $0x1;
	s10 =	sld [smem:$0x3FB8]  }
0x3d: {  	_ =	shalt  }
0x3e: {  	_ =	shalt  }
0x3f: {  	_ =	shalt  }
0x40: {  	_ =	shalt  }
0x41: {  	_ =	shalt  }
0x42: {  	_ =	shalt  }
0x43: {  	_ =	shalt  }
0x44: {  	_ =	shalt  }
0x45: {  	_ =	shalt  }
0x46: {  	_ =	shalt  }
0x47: {  	_ =	shalt  }
0x48: {  	_ =	shalt  }
0x49: {  	_ =	shalt  }
0x4a: {  	_ =	shalt  }
0x4b: {  	_ =	shalt  }
0x4c: {  	_ =	shalt  }
0x4d: {  	_ =	shalt  }
0x4e: {  	_ =	shalt  }
0x4f: {  	_ =	shalt  }
0x50: {  	_ =	shalt  }
0x51: {  	_ =	shalt  }
0x52: {  	_ =	shalt  }
0x53: {  	_ =	shalt  }
0x54: {  	_ =	shalt  }
0x55: {  	_ =	shalt  }
0x56: {  	_ =	shalt  }
0x57: {  	_ =	shalt  }
0x58: {  	_ =	shalt  }
0x59: {  	_ =	shalt  }
0x5a: {  	_ =	shalt  }
0x5b: {  	_ =	shalt  }
0x5c: {  	_ =	shalt  }
0x5d: {  	_ =	shalt  }
0x5e: {  	_ =	shalt  }
0x5f: {  	_ =	shalt  }
0x60: {  	_ =	shalt  }
0x61: {  	_ =	shalt  }
0x62: {  	_ =	shalt  }
0x63: {  	_ =	shalt  }
0x64: {  	_ =	shalt  }
0x65: {  	_ =	shalt  }
0x66: {  	_ =	shalt  }
0x67: {  	_ =	shalt  }
0x68: {  	_ =	shalt  }
0x69: {  	_ =	shalt  }
0x6a: {  	_ =	shalt  }
0x6b: {  	_ =	shalt  }
0x6c: {  	_ =	shalt  }
0x6d: {  	_ =	shalt  }
0x6e: {  	_ =	shalt  }
0x6f: {  	_ =	shalt  }
0x70: {  	_ =	shalt  }
0x71: {  	_ =	shalt  }
0x72: {  	_ =	shalt  }
0x73: {  	_ =	shalt  }
0x74: {  	_ =	shalt  }
0x75: {  	_ =	shalt  }
0x76: {  	_ =	shalt  }
0x77: {  	_ =	shalt  }
0x78: {  	_ =	shalt  }
0x79: {  	_ =	shalt  }
0x7a: {  	_ =	shalt  }
0x7b: {  	_ =	shalt  }
0x7c: {  	_ =	shalt  }
0x7d: {  	_ =	shalt  }
0x7e: {  	_ =	shalt  }
0x7f: {  	_ =	shalt  }
0x80: {  	_ =	shalt  }
0x81: {  	_ =	shalt  }
0x82: {  	_ =	shalt  }
0x83: {  	_ =	shalt  }
0x84: {  	_ =	shalt  }
0x85: {  	_ =	shalt  }
0x86: {  	_ =	shalt  }
0x87: {  	_ =	shalt  }
.Lfunc_end0:
.L_simem_size_0:
called_computation_lowered:
.L_overlay_start_0:
0x88: {  	s2 =	sld [smem:$0x3FD9]  }
0x89: {  	s3 =	sld [smem:$0x3FFE];
	_ =	sdelay $0x1  }
0x8a: {  	s1 =	srdreg.scid  }
0x8b: {  	s0 =	sand.u32 $0x1, s1  }
0x8c: {  	s17 =	sshll.u32 s0, $0xA;
	s2 =	sadd.s32 s3, s2  }
0x8d: {  	s2 =	sadd.s32 s2, s17  }
0x8e: {  	[smem:$0x3FC4] =	sst s2  }
0x8f: {  	_ = 	snop  }
0x90: {  	s2 =	sld [smem:$0x3FD0];
	(tm) =	ssettm $0x1  }
0x91: {  	s18 =	sld [smem:$0x3FFB];
	_ =	sdelay $0x3  }
0x92: {  	_ =	strace s18  }
0x93: {  	s3 =	sld [smem:$0x3FFC];
	_ =	sdelay $0x3  }
0x94: {  	_ =	strace s3  }
0x95: {  	s3 =	sld [smem:$0x3FFD];
	_ =	sdelay $0x3  }
0x96: {  	_ =	strace s3  }
0x97: {  	_ =	strace $0x8FFFFFFF  }
0x98: {  	s19 =	sld [smem:$0x3FDB];
	_ =	sdelay $0x1  }
0x99: {  	s4 =	simm.s32 $_scs_section_size  }
0x9a: {  	s5 =	simm.s32 $_size__tile_overlayer_lowered;
	s6 =	simm.s32 $_tile_overlayer_lowered  }
0x9b: {  	s22 =	simm.s32 $0x1BFF;
	s21 =	sshll.u32 s6, $0x1;
	s3 =	sadd.s32 s4, s19  }
0x9c: {  	s7 =	simm.s32 $0x0;
	s20 =	sshll.u32 s5, $0x1;
	s5 =	sadd.s32 s21, s3  }
0x9d: {  	[timem:s7], [sflag:s22] =	dma.local [hbm:s5], s20  }
0x9e: {  	_ =	swait.ge [sflag:s22], s20  }
0x9f: {  	s4 =	ssub.s32 $0x0, s20;
	[sflag:s22] =	ssyncset.done $0x0  }
0xa0: {  	[sflag:s22] =	ssyncadd.s32 s4;
	_ =	sdelay $0x1  }
0xa1: {  	s23 =	simm.s32 $0x1B8B  }
0xa2: {  	_ =	swait.ge [sflag:s23], $0x1  }
0xa3: {  	[sflag:s23] =	ssyncset.done $0x0  }
0xa4: {  	s25 =	simm.s32 $0x1B8E;
	s24 =	sld [smem:$0x3FFE];
	[sflag:s23] =	ssyncadd.s32 $0xFFFFFFFF  }
0xa5: {  	s26 =	simm.s32 $execute0_lowered;
	[smem:$0x3FD2] =	sst s25  }
0xa6: {  	s5 =	sshll.u32 s26, $0x1;
	_ =	strace $0x80000046;
	[dreg:$0x1] =	wrdreg $0xFFFFFFFF  }
0xa7: {  	s28 =	simm.s32 $_size_execute0_lowered;
	s3 =	sadd.s32 s3, s5;
	[dreg:$0x0] =	wrdreg $0x0  }
0xa8: {  	s5 =	sshll.u32 s28, $0x1;
	[dreg:$0x2] =	wrdreg s3  }
0xa9: {  	[dreg:$0x3] =	wrdreg s5  }
0xaa: {  	[dreg:$0x4] =	wrdreg $0xC0  }
0xab: {  	_ =	task [dreg:s7], $0x5FFFF  }
0xac: {  	[dreg:$0x1] =	wrdreg $0xFFFFFFFF  }
0xad: {  	[dreg:$0x0] =	wrdreg $0x60  }
0xae: {  	[dreg:$0x2] =	wrdreg s24  }
0xaf: {  	[dreg:$0x3] =	wrdreg s2  }
0xb0: {  	[dreg:$0x4] =	wrdreg $0x9  }
0xb1: {  	_ =	task.clear_ibuf [dreg:s7], $0x5FFFF;
	_ =	strace $0x90000046  }
0xb2: {  	s29 =	simm.s32 $0x9;
	_ =	strace $0x80000048  }
0xb3: {  	_ =	swait.ge [sflag:s29], $0x1  }
0xb4: {  	[sflag:s29] =	ssyncadd.s32 $0xFFFFFFFF  }
0xb5: {  	_ =	strace $0x90000048  }
0xb6: {  	_ =	sfence  }
0xb7: {  	s30 =	sld [smem:$0x0];
	_ =	sdelay $0x2  }
0xb8: {  	s31 =	sshll.u32 s1, $0xD;
	s1 =	sshrl.u32 s1, $0x2  }
0xb9: {  	s3 =	sand.u32 $0x4000, s31;
	s1 =	sadd.s32 s1, s30  }
0xba: {  	s0 =	sor.u32 s3, s0;
	s1 =	sshll.u32 s1, $0x11  }
0xbb: {  	s0 =	sor.u32 s1, s0  }
0xbc: {  	s0 =	sadd.s32 $0x8F2B, s0  }
0xbd: {  	[sflag:s0] =	ssyncadd.remote.s32 $0x1  }
0xbe: {  	_ =	sfence.sel $0xFFFF  }
0xbf: {  	[dreg:$0x0] =	wrdreg $0xFFFFFFFF;
	(pc) =	sbr.abs _section_cstart, $3  }
0xc0: {  	[dreg:$0x1] =	wrdreg $0xFFFFFFFF  }
0xc1: {  	_ =	task.clear_ibuf [dreg:s7], $0x2FFFF;
	_ =	strace $0x9FFFFFFF  }
0xc2: {  	(tm) =	ssettm $0x7FFFFFFF  }
0xc3: {  	_ =	shalt  }
tec
execute0_lowered:
.L_overlay_start_1:
0x0: {  	(tag) =	ssettag $0x1  }
0x1: {  	s3 =	rddreg [dreg:$0x0];
	s1 =	srdreg.scid  }
0x2: {  	s0 =	stileid.u32;
	s8 =	rddreg [dreg:$0x1]  }
0x3: {  	s2 =	simm.s32 $0x0;
	s12 =	simm.s32 $0x5B80;
	s13 =	simm.s32 $0x1  }
0x4: {  	s14 =	simm.s32 $0x2;
	s15 =	simm.s32 $0x8F80;
	s16 =	simm.s32 $0x0  }
0x5: {  	s4 =	sand.u32 $0x1, s1;
	s5 =	sshll.u32 s0, $0x1;
	s1 =	rddreg [dreg:$0x2]  }
0x6: {  	[smem:$0x7FF] =	sst s2;
	s6 =	sadd.s32 $0x1000, s3;
	s9 =	sor.u32 s4, s5  }
0x7: {  	s3 =	sadd.s32 $0x35000, s3;
	s4 =	ssub.s32 $0x2, s4;
	s5 =	smul.u32 $0xD000, s9  }
0x8: {  	_ =	strace $0x80000047;
	s7 =	smul.u32 $0x1A00, s9;
	s10 =	sshrl.u32 s4, $0x1  }
0x9: {  	s9 =	sshll.u32 s9, $0x6;
	s10 =	ssub.s32 s4, s10;
	s5 =	sshrl.u32 s5, $0x3  }
0xa: {  	s8 =	sadd.s32 s8, s9;
	s4 =	sadd.s32 s6, s7;
	s11 =	sadd.s32 s6, s5  }
0xb: {  	s9 =	smax.u32 s10, $0x1;
	s10 =	simm.s32 $0x2780;
	s5 =	sadd.s32 $0x680, s11  }
0xc: {  	s6 =	sadd.s32 $0xD00, s11;
	s7 =	sadd.s32 $0x1380, s11;
	s11 =	simm.s32 $0x3  }
.LBB2_1:
0xd: {  	[tilespmem:s10], [sflag:$0x1] =	stream.linear.gather [hbm4b:s4+s2], $0x3400, $0x38;
	[tilespmem:$0x9180] =	vst v63  }
0xe: {  	_ = 	snop  }
0xf: {  	[tilespmem:s2], [sflag:$0x3] =	stream.linear.gather [hbm4b:s3+s2], $0x2780, $0x38;
	[tilespmem:$0x9180] =	vst v63  }
0x10: {  	_ =	swait.ge [sflag:s11], $0x2780  }
0x11: {  	[sflag:s11] =	ssyncset.done $0x0  }
0x12: {  	[sflag:s11] =	ssyncadd.s32 $0xFFFFD880  }
0x13: {  	[tilespmem:s12], [sflag:$0x2] =	stream.linear.gather [hbm4b:s5+s2], $0x3400, $0x38;
	[tilespmem:$0x9180] =	vst v63  }
0x14: {  	_ =	swait.ge [sflag:s13], $0x3400  }
0x15: {  	[sflag:s13] =	ssyncset.done $0x0  }
0x16: {  	s18 =	simm.s32 $0x0;
	[sflag:s13] =	ssyncadd.s32 $0xFFFFCC00  }
0x17: {  	v0 =	vld [tilespmem:s18+$0x27A0]  }
0x18: {  	v1 =	vld [tilespmem:s18+$0x27D0]  }
0x19: {  	v6 =	vld [tilespmem:s18+$0x27E0]  }
0x1a: {  	v7 =	vld [tilespmem:s18+$0x27B0]  }
0x1b: {  	v8 =	vld [tilespmem:s18+$0x2780]  }
0x1c: {  	v4 =	vld [tilespmem:s18+$0x27F0];
	v2 =	vshrl.u32 v0, $0x10  }
0x1d: {  	v9 =	vld [tilespmem:s18+$0x27C0];
	v0 =	vand.u32 $0xFFFF, v0  }
0x1e: {  	s17 =	simm.s32 $0x80;
	v10 =	vld [tilespmem:s18+$0x2790];
	v5 =	vand.u32 $0xFFFF, v1  }
0x1f: {  	v3 =	vld [tilespmem:s17+$0x27D0];
	v11 =	vshrl.u32 v7, $0x10  }
0x20: {  	v18 =	vld [tilespmem:s17+$0x27A0]  }
0x21: {  	v1 =	vshrl.u32 v1, $0x10;
	v13 =	vld.idx.msk [tilespmem:v2+s2+$0x0], $0xffff  }
0x22: {  	v12 =	vshrl.u32 v4, $0x10;
	v0 =	vld.idx.msk [tilespmem:v0+s2+$0x0], $0xffff  }
0x23: {  	v4 =	vand.u32 $0xFFFF, v4;
	v15 =	vld.idx.msk [tilespmem:v5+s2+$0x0], $0xffff  }
0x24: {  	v14 =	vshrl.u32 v6, $0x10;
	v2 =	vld.idx.msk [tilespmem:v11+s2+$0x0], $0xffff  }
0x25: {  	v16 =	vshrl.u32 v8, $0x10;
	v5 =	vld [tilespmem:s17+$0x27E0]  }
0x26: {  	v1 =	vld.idx.msk [tilespmem:v1+s2+$0x0], $0xffff  }
0x27: {  	v11 =	vshrl.u32 v10, $0x10;
	v19 =	vld.idx.msk [tilespmem:v12+s2+$0x0], $0xffff  }
0x28: {  	v8 =	vand.u32 $0xFFFF, v8;
	v17 =	vld.idx.msk [tilespmem:v4+s2+$0x0], $0xffff  }
0x29: {  	v10 =	vand.u32 $0xFFFF, v10;
	v4 =	vld.idx.msk [tilespmem:v14+s2+$0x0], $0xffff  }
0x2a: {  	v20 =	vshrl.u32 v9, $0x10;
	v12 =	vld.idx.msk [tilespmem:v16+s2+$0x0], $0xffff  }
0x2b: {  	v23 =	vand.u32 $0xFFFF, v6;
	v14 =	vld [tilespmem:s17+$0x27B0]  }
0x2c: {  	v22 =	vld.idx.msk [tilespmem:v11+s2+$0x0], $0xffff;
	v11 =	vand.u32 $0xFFFF, v7  }
0x2d: {  	v21 =	vand.u32 $0xFFFF, v9;
	v25 =	vld.idx.msk [tilespmem:v8+s2+$0x0], $0xffff  }
0x2e: {  	v10 =	vld.idx.msk [tilespmem:v10+s2+$0x0], $0xffff;
	v7 =	vimm.f32 $0.0e+00  }
0x2f: {  	v9 =	vld.idx.msk [tilespmem:v20+s2+$0x0], $0xffff;
	v0 =	vadd.f32 v0, v7  }
0x30: {  	v8 =	vadd.f32 v15, v7;
	v15 =	vld.idx.msk [tilespmem:v23+s2+$0x0], $0xffff  }
0x31: {  	v6 =	vadd.f32 v13, v0;
	v0 =	vadd.f32 v17, v7;
	v16 =	vld.idx.msk [tilespmem:v11+s2+$0x0], $0xffff  }
0x32: {  	v23 =	vadd.f32 v25, v7;
	v17 =	vld.idx.msk [tilespmem:v21+s2+$0x0], $0xffff;
	v1 =	vadd.f32 v1, v8  }
0x33: {  	v24 =	vshrl.u32 v18, $0x10;
	v8 =	vadd.f32 v10, v7;
	v0 =	vadd.f32 v19, v0;
	v19 =	vld [tilespmem:s17+$0x2780]  }
0x34: {  	v20 =	vld [tilespmem:s17+$0x27F0];
	v21 =	vand.u32 $0xFFFF, v18;
	v13 =	vimm.f32 $0.0e+00;
	v11 =	vshrl.u32 v5, $0x10  }
0x35: {  	s18 =	simm.s32 $0x400;
	v18 =	vld [tilespmem:s17+$0x27C0];
	v10 =	vimm.f32 $0.0e+00;
	v8 =	vadd.f32 v22, v8;
	v22 =	vand.u32 $0xFFFF, v3  }
.LBB2_2:
0x36: {  	p0 =	sne.s32 s18, $0xCE00;
	v25 =	vld [tilespmem:s17+$0x2790];
	s17 =	sshra.s32 s18, $0x2;
	s18 =	sadd.s32 $0x200, s18;
	v26 =	vshrl.u32 v14, $0x10;
	v27 =	vshrl.u32 v3, $0x10;
	v7 =	vadd.f32 v16, v7  }
0x37: {  	v13 =	vadd.f32 v17, v13;
	v3 =	vld [tilespmem:s17+$0x27D0]  }
0x38: {  	v23 =	vadd.f32 v12, v23;
	v16 =	vshrl.u32 v19, $0x10;
	v17 =	vld.idx.msk [tilespmem:v24+s2+$0x0], $0xffff;
	v7 =	vadd.f32 v2, v7  }
0x39: {  	v2 =	vadd.f32 v15, v10;
	v24 =	vld [tilespmem:s17+$0x27A0];
	v12 =	vand.u32 $0xFFFF, v20;
	v20 =	vshrl.u32 v20, $0x10  }
0x3a: {  	v28 =	vand.u32 $0xFFFF, v5;
	v13 =	vadd.f32 v9, v13;
	v15 =	vld.idx.msk [tilespmem:v21+s2+$0x0], $0xffff;
	v21 =	vshrl.u32 v18, $0x10  }
0x3b: {  	v29 =	vand.u32 $0xFFFF, v14;
	v19 =	vand.u32 $0xFFFF, v19;
	v10 =	vadd.f32 v4, v2;
	v9 =	vld.idx.msk [tilespmem:v22+s2+$0x0], $0xffff  }
0x3c: {  	v14 =	vand.u32 $0xFFFF, v25;
	v2 =	vld.idx.msk [tilespmem:v26+s2+$0x0], $0xffff  }
0x3d: {  	v18 =	vand.u32 $0xFFFF, v18;
	v22 =	vshrl.u32 v25, $0x10;
	v5 =	vld [tilespmem:s17+$0x27E0]  }
0x3e: {  	v25 =	vld.idx.msk [tilespmem:v27+s2+$0x0], $0xffff  }
0x3f: {  	v20 =	vld.idx.msk [tilespmem:v20+s2+$0x0], $0xffff  }
0x40: {  	v6 =	vadd.f32 v15, v6;
	v15 =	vld.idx.msk [tilespmem:v12+s2+$0x0], $0xffff  }
0x41: {  	v4 =	vld.idx.msk [tilespmem:v11+s2+$0x0], $0xffff  }
0x42: {  	v1 =	vadd.f32 v9, v1;
	v6 =	vadd.f32 v17, v6;
	v22 =	vld.idx.msk [tilespmem:v22+s2+$0x0], $0xffff  }
0x43: {  	v12 =	vld.idx.msk [tilespmem:v16+s2+$0x0], $0xffff  }
0x44: {  	v1 =	vadd.f32 v25, v1;
	v11 =	vld.idx.msk [tilespmem:v14+s2+$0x0], $0xffff  }
0x45: {  	v14 =	vld [tilespmem:s17+$0x27B0]  }
0x46: {  	v0 =	vadd.f32 v15, v0;
	v9 =	vld.idx.msk [tilespmem:v21+s2+$0x0], $0xffff  }
0x47: {  	v25 =	vld.idx.msk [tilespmem:v19+s2+$0x0], $0xffff  }
0x48: {  	v0 =	vadd.f32 v20, v0;
	v16 =	vld.idx.msk [tilespmem:v29+s2+$0x0], $0xffff  }
.Ltmp0:
0x49: {  	v17 =	vld.idx.msk [tilespmem:v18+s2+$0x0], $0xffff;
	(pc) =	sbr.rel @p0 .LBB2_2-.Ltmp0, $4  }
0x4a: {  	v21 =	vand.u32 $0xFFFF, v24;
	v8 =	vadd.f32 v11, v8;
	v15 =	vld.idx.msk [tilespmem:v28+s2+$0x0], $0xffff  }
0x4b: {  	v24 =	vshrl.u32 v24, $0x10;
	v11 =	vshrl.u32 v5, $0x10;
	v19 =	vld [tilespmem:s17+$0x2780]  }
0x4c: {  	v8 =	vadd.f32 v22, v8;
	v20 =	vld [tilespmem:s17+$0x27F0]  }
0x4d: {  	v22 =	vand.u32 $0xFFFF, v3;
	v23 =	vadd.f32 v25, v23;
	v18 =	vld [tilespmem:s17+$0x27C0]  }
0x4e: {  	_ =	sdelay $0x1  }
0x4f: {  	v25 =	vld [tilespmem:s17+$0x2790]  }
0x50: {  	v26 =	vshrl.u32 v14, $0x10  }
0x51: {  	v3 =	vshrl.u32 v3, $0x10;
	v24 =	vld.idx.msk [tilespmem:v24+s2+$0x0], $0xffff  }
0x52: {  	v21 =	vld.idx.msk [tilespmem:v21+s2+$0x0], $0xffff;
	v14 =	vand.u32 $0xFFFF, v14  }
0x53: {  	v22 =	vld.idx.msk [tilespmem:v22+s2+$0x0], $0xffff;
	v5 =	vand.u32 $0xFFFF, v5  }
0x54: {  	v11 =	vld.idx.msk [tilespmem:v11+s2+$0x0], $0xffff;
	v28 =	vshrl.u32 v25, $0x10;
	v25 =	vand.u32 $0xFFFF, v25  }
0x55: {  	v29 =	vand.u32 $0xFFFF, v19;
	v26 =	vld.idx.msk [tilespmem:v26+s2+$0x0], $0xffff  }
0x56: {  	v19 =	vshrl.u32 v19, $0x10;
	v3 =	vld.idx.msk [tilespmem:v3+s2+$0x0], $0xffff  }
0x57: {  	v30 =	vand.u32 $0xFFFF, v18;
	v14 =	vld.idx.msk [tilespmem:v14+s2+$0x0], $0xffff  }
0x58: {  	v7 =	vadd.f32 v16, v7;
	v18 =	vshrl.u32 v18, $0x10;
	v5 =	vld.idx.msk [tilespmem:v5+s2+$0x0], $0xffff  }
0x59: {  	v13 =	vadd.f32 v17, v13;
	v16 =	vand.u32 $0xFFFF, v20;
	v25 =	vld.idx.msk [tilespmem:v25+s2+$0x0], $0xffff  }
0x5a: {  	v2 =	vadd.f32 v2, v7;
	v7 =	vadd.f32 v15, v10;
	v29 =	vld.idx.msk [tilespmem:v29+s2+$0x0], $0xffff  }
0x5b: {  	v12 =	vadd.f32 v12, v23;
	v9 =	vadd.f32 v9, v13;
	v27 =	vshrl.u32 v20, $0x10;
	v19 =	vld.idx.msk [tilespmem:v19+s2+$0x0], $0xffff  }
0x5c: {  	v4 =	vadd.f32 v4, v7;
	v6 =	vadd.f32 v21, v6;
	v10 =	vld.idx.msk [tilespmem:v30+s2+$0x0], $0xffff  }
0x5d: {  	v1 =	vadd.f32 v22, v1;
	v13 =	vld.idx.msk [tilespmem:v18+s2+$0x0], $0xffff;
	v2 =	vadd.f32 v14, v2  }
0x5e: {  	v6 =	vadd.f32 v24, v6;
	v7 =	vadd.f32 v25, v8;
	v8 =	vld.idx.msk [tilespmem:v16+s2+$0x0], $0xffff  }
0x5f: {  	v28 =	vld.idx.msk [tilespmem:v28+s2+$0x0], $0xffff;
	v12 =	vadd.f32 v29, v12;
	v2 =	vadd.f32 v26, v2  }
0x60: {  	v27 =	vld.idx.msk [tilespmem:v27+s2+$0x0], $0xffff;
	v4 =	vadd.f32 v5, v4;
	v1 =	vadd.f32 v3, v1;
	[tilespmem:$0x8FA0] =	vst v6  }
0x61: {  	v12 =	vadd.f32 v19, v12;
	v9 =	vadd.f32 v10, v9;
	[tilespmem:$0x8FB0] =	vst v2  }
0x62: {  	v2 =	vadd.f32 v11, v4;
	[tilespmem:$0x8FD0] =	vst v1  }
0x63: {  	[tilespmem:$0x8F80] =	vst v12;
	v5 =	vadd.f32 v13, v9;
	v0 =	vadd.f32 v8, v0  }
0x64: {  	v7 =	vadd.f32 v28, v7;
	[tilespmem:$0x8FE0] =	vst v2  }
0x65: {  	[tilespmem:$0x8FC0] =	vst v5;
	v0 =	vadd.f32 v27, v0  }
0x66: {  	[tilespmem:$0x8F90] =	vst v7  }
0x67: {  	s31 =	simm.s32 $0x0;
	[tilespmem:$0x8FF0] =	vst v0  }
0x68: {  	[tilespmem:s10], [sflag:$0x1] =	stream.linear.gather [hbm4b:s6+s31], $0x3400, $0x38;
	[tilespmem:$0x9180] =	vst v63  }
0x69: {  	_ =	swait.ge [sflag:s14], $0x3400  }
0x6a: {  	[sflag:s14] =	ssyncset.done $0x0  }
0x6b: {  	s18 =	simm.s32 $0x0;
	[sflag:s14] =	ssyncadd.s32 $0xFFFFCC00  }
0x6c: {  	v0 =	vld [tilespmem:s18+$0x5BA0]  }
0x6d: {  	v1 =	vld [tilespmem:s18+$0x5BD0]  }
0x6e: {  	v6 =	vld [tilespmem:s18+$0x5BE0]  }
0x6f: {  	v7 =	vld [tilespmem:s18+$0x5BB0]  }
0x70: {  	v8 =	vld [tilespmem:s18+$0x5B80]  }
0x71: {  	v4 =	vld [tilespmem:s18+$0x5BF0];
	v2 =	vshrl.u32 v0, $0x10  }
0x72: {  	v9 =	vld [tilespmem:s18+$0x5BC0];
	v0 =	vand.u32 $0xFFFF, v0  }
0x73: {  	s17 =	simm.s32 $0x80;
	v10 =	vld [tilespmem:s18+$0x5B90];
	v5 =	vand.u32 $0xFFFF, v1  }
0x74: {  	v3 =	vld [tilespmem:s17+$0x5BD0];
	v11 =	vshrl.u32 v7, $0x10  }
0x75: {  	v18 =	vld [tilespmem:s17+$0x5BA0]  }
0x76: {  	v1 =	vshrl.u32 v1, $0x10;
	v13 =	vld.idx.msk [tilespmem:v2+s2+$0x0], $0xffff  }
0x77: {  	v12 =	vshrl.u32 v4, $0x10;
	v0 =	vld.idx.msk [tilespmem:v0+s2+$0x0], $0xffff  }
0x78: {  	v4 =	vand.u32 $0xFFFF, v4;
	v15 =	vld.idx.msk [tilespmem:v5+s2+$0x0], $0xffff  }
0x79: {  	v14 =	vshrl.u32 v6, $0x10;
	v2 =	vld.idx.msk [tilespmem:v11+s2+$0x0], $0xffff  }
0x7a: {  	v16 =	vshrl.u32 v8, $0x10;
	v5 =	vld [tilespmem:s17+$0x5BE0]  }
0x7b: {  	v1 =	vld.idx.msk [tilespmem:v1+s2+$0x0], $0xffff  }
0x7c: {  	v11 =	vshrl.u32 v10, $0x10;
	v19 =	vld.idx.msk [tilespmem:v12+s2+$0x0], $0xffff  }
0x7d: {  	v8 =	vand.u32 $0xFFFF, v8;
	v17 =	vld.idx.msk [tilespmem:v4+s2+$0x0], $0xffff  }
0x7e: {  	v10 =	vand.u32 $0xFFFF, v10;
	v4 =	vld.idx.msk [tilespmem:v14+s2+$0x0], $0xffff  }
0x7f: {  	v20 =	vshrl.u32 v9, $0x10;
	v12 =	vld.idx.msk [tilespmem:v16+s2+$0x0], $0xffff  }
0x80: {  	v23 =	vand.u32 $0xFFFF, v6;
	v14 =	vld [tilespmem:s17+$0x5BB0]  }
0x81: {  	v22 =	vld.idx.msk [tilespmem:v11+s2+$0x0], $0xffff;
	v11 =	vand.u32 $0xFFFF, v7  }
0x82: {  	v21 =	vand.u32 $0xFFFF, v9;
	v25 =	vld.idx.msk [tilespmem:v8+s2+$0x0], $0xffff  }
0x83: {  	v10 =	vld.idx.msk [tilespmem:v10+s2+$0x0], $0xffff;
	v7 =	vimm.f32 $0.0e+00  }
0x84: {  	v9 =	vld.idx.msk [tilespmem:v20+s2+$0x0], $0xffff;
	v0 =	vadd.f32 v0, v7  }
0x85: {  	v8 =	vadd.f32 v15, v7;
	v15 =	vld.idx.msk [tilespmem:v23+s2+$0x0], $0xffff  }
0x86: {  	v6 =	vadd.f32 v13, v0;
	v0 =	vadd.f32 v17, v7;
	v16 =	vld.idx.msk [tilespmem:v11+s2+$0x0], $0xffff  }
0x87: {  	v23 =	vadd.f32 v25, v7;
	v17 =	vld.idx.msk [tilespmem:v21+s2+$0x0], $0xffff;
	v1 =	vadd.f32 v1, v8  }
0x88: {  	v24 =	vshrl.u32 v18, $0x10;
	v8 =	vadd.f32 v10, v7;
	v0 =	vadd.f32 v19, v0;
	v19 =	vld [tilespmem:s17+$0x5B80]  }
0x89: {  	v20 =	vld [tilespmem:s17+$0x5BF0];
	v21 =	vand.u32 $0xFFFF, v18;
	v13 =	vimm.f32 $0.0e+00;
	v11 =	vshrl.u32 v5, $0x10  }
0x8a: {  	s18 =	simm.s32 $0x400;
	v18 =	vld [tilespmem:s17+$0x5BC0];
	v10 =	vimm.f32 $0.0e+00;
	v8 =	vadd.f32 v22, v8;
	v22 =	vand.u32 $0xFFFF, v3  }
.LBB2_4:
0x8b: {  	p0 =	sne.s32 s18, $0xCE00;
	v25 =	vld [tilespmem:s17+$0x5B90];
	s17 =	sshra.s32 s18, $0x2;
	s18 =	sadd.s32 $0x200, s18;
	v26 =	vshrl.u32 v14, $0x10;
	v27 =	vshrl.u32 v3, $0x10;
	v7 =	vadd.f32 v16, v7  }
0x8c: {  	v13 =	vadd.f32 v17, v13;
	v3 =	vld [tilespmem:s17+$0x5BD0]  }
0x8d: {  	v23 =	vadd.f32 v12, v23;
	v16 =	vshrl.u32 v19, $0x10;
	v17 =	vld.idx.msk [tilespmem:v24+s2+$0x0], $0xffff;
	v7 =	vadd.f32 v2, v7  }
0x8e: {  	v2 =	vadd.f32 v15, v10;
	v24 =	vld [tilespmem:s17+$0x5BA0];
	v12 =	vand.u32 $0xFFFF, v20;
	v20 =	vshrl.u32 v20, $0x10  }
0x8f: {  	v28 =	vand.u32 $0xFFFF, v5;
	v13 =	vadd.f32 v9, v13;
	v15 =	vld.idx.msk [tilespmem:v21+s2+$0x0], $0xffff;
	v21 =	vshrl.u32 v18, $0x10  }
0x90: {  	v29 =	vand.u32 $0xFFFF, v14;
	v19 =	vand.u32 $0xFFFF, v19;
	v10 =	vadd.f32 v4, v2;
	v9 =	vld.idx.msk [tilespmem:v22+s2+$0x0], $0xffff  }
0x91: {  	v14 =	vand.u32 $0xFFFF, v25;
	v2 =	vld.idx.msk [tilespmem:v26+s2+$0x0], $0xffff  }
0x92: {  	v18 =	vand.u32 $0xFFFF, v18;
	v22 =	vshrl.u32 v25, $0x10;
	v5 =	vld [tilespmem:s17+$0x5BE0]  }
0x93: {  	v25 =	vld.idx.msk [tilespmem:v27+s2+$0x0], $0xffff  }
0x94: {  	v20 =	vld.idx.msk [tilespmem:v20+s2+$0x0], $0xffff  }
0x95: {  	v6 =	vadd.f32 v15, v6;
	v15 =	vld.idx.msk [tilespmem:v12+s2+$0x0], $0xffff  }
0x96: {  	v4 =	vld.idx.msk [tilespmem:v11+s2+$0x0], $0xffff  }
0x97: {  	v1 =	vadd.f32 v9, v1;
	v6 =	vadd.f32 v17, v6;
	v22 =	vld.idx.msk [tilespmem:v22+s2+$0x0], $0xffff  }
0x98: {  	v12 =	vld.idx.msk [tilespmem:v16+s2+$0x0], $0xffff  }
0x99: {  	v1 =	vadd.f32 v25, v1;
	v11 =	vld.idx.msk [tilespmem:v14+s2+$0x0], $0xffff  }
0x9a: {  	v14 =	vld [tilespmem:s17+$0x5BB0]  }
0x9b: {  	v0 =	vadd.f32 v15, v0;
	v9 =	vld.idx.msk [tilespmem:v21+s2+$0x0], $0xffff  }
0x9c: {  	v25 =	vld.idx.msk [tilespmem:v19+s2+$0x0], $0xffff  }
0x9d: {  	v0 =	vadd.f32 v20, v0;
	v16 =	vld.idx.msk [tilespmem:v29+s2+$0x0], $0xffff  }
.Ltmp1:
0x9e: {  	v17 =	vld.idx.msk [tilespmem:v18+s2+$0x0], $0xffff;
	(pc) =	sbr.rel @p0 .LBB2_4-.Ltmp1, $4  }
0x9f: {  	v21 =	vand.u32 $0xFFFF, v24;
	v8 =	vadd.f32 v11, v8;
	v15 =	vld.idx.msk [tilespmem:v28+s2+$0x0], $0xffff  }
0xa0: {  	v24 =	vshrl.u32 v24, $0x10;
	v11 =	vshrl.u32 v5, $0x10;
	v19 =	vld [tilespmem:s17+$0x5B80]  }
0xa1: {  	v8 =	vadd.f32 v22, v8;
	v20 =	vld [tilespmem:s17+$0x5BF0]  }
0xa2: {  	v22 =	vand.u32 $0xFFFF, v3;
	v23 =	vadd.f32 v25, v23;
	v18 =	vld [tilespmem:s17+$0x5BC0]  }
0xa3: {  	_ =	sdelay $0x1  }
0xa4: {  	v25 =	vld [tilespmem:s17+$0x5B90]  }
0xa5: {  	v26 =	vshrl.u32 v14, $0x10  }
0xa6: {  	v3 =	vshrl.u32 v3, $0x10;
	v24 =	vld.idx.msk [tilespmem:v24+s2+$0x0], $0xffff  }
0xa7: {  	v21 =	vld.idx.msk [tilespmem:v21+s2+$0x0], $0xffff;
	v14 =	vand.u32 $0xFFFF, v14  }
0xa8: {  	v22 =	vld.idx.msk [tilespmem:v22+s2+$0x0], $0xffff;
	v5 =	vand.u32 $0xFFFF, v5  }
0xa9: {  	v11 =	vld.idx.msk [tilespmem:v11+s2+$0x0], $0xffff;
	v28 =	vshrl.u32 v25, $0x10;
	v25 =	vand.u32 $0xFFFF, v25  }
0xaa: {  	v29 =	vand.u32 $0xFFFF, v19;
	v26 =	vld.idx.msk [tilespmem:v26+s2+$0x0], $0xffff  }
0xab: {  	v19 =	vshrl.u32 v19, $0x10;
	v3 =	vld.idx.msk [tilespmem:v3+s2+$0x0], $0xffff  }
0xac: {  	v30 =	vand.u32 $0xFFFF, v18;
	v14 =	vld.idx.msk [tilespmem:v14+s2+$0x0], $0xffff  }
0xad: {  	v7 =	vadd.f32 v16, v7;
	v18 =	vshrl.u32 v18, $0x10;
	v5 =	vld.idx.msk [tilespmem:v5+s2+$0x0], $0xffff  }
0xae: {  	v13 =	vadd.f32 v17, v13;
	v16 =	vand.u32 $0xFFFF, v20;
	v25 =	vld.idx.msk [tilespmem:v25+s2+$0x0], $0xffff  }
0xaf: {  	v2 =	vadd.f32 v2, v7;
	v7 =	vadd.f32 v15, v10;
	v29 =	vld.idx.msk [tilespmem:v29+s2+$0x0], $0xffff  }
0xb0: {  	v12 =	vadd.f32 v12, v23;
	v9 =	vadd.f32 v9, v13;
	v27 =	vshrl.u32 v20, $0x10;
	v19 =	vld.idx.msk [tilespmem:v19+s2+$0x0], $0xffff  }
0xb1: {  	v4 =	vadd.f32 v4, v7;
	v6 =	vadd.f32 v21, v6;
	v10 =	vld.idx.msk [tilespmem:v30+s2+$0x0], $0xffff  }
0xb2: {  	v1 =	vadd.f32 v22, v1;
	v13 =	vld.idx.msk [tilespmem:v18+s2+$0x0], $0xffff;
	v2 =	vadd.f32 v14, v2  }
0xb3: {  	v6 =	vadd.f32 v24, v6;
	v7 =	vadd.f32 v25, v8;
	v8 =	vld.idx.msk [tilespmem:v16+s2+$0x0], $0xffff  }
0xb4: {  	v28 =	vld.idx.msk [tilespmem:v28+s2+$0x0], $0xffff;
	v12 =	vadd.f32 v29, v12;
	v2 =	vadd.f32 v26, v2  }
0xb5: {  	v27 =	vld.idx.msk [tilespmem:v27+s2+$0x0], $0xffff;
	v4 =	vadd.f32 v5, v4;
	v1 =	vadd.f32 v3, v1;
	[tilespmem:$0x9020] =	vst v6  }
0xb6: {  	v12 =	vadd.f32 v19, v12;
	v9 =	vadd.f32 v10, v9;
	[tilespmem:$0x9030] =	vst v2  }
0xb7: {  	v2 =	vadd.f32 v11, v4;
	[tilespmem:$0x9050] =	vst v1  }
0xb8: {  	[tilespmem:$0x9000] =	vst v12;
	v5 =	vadd.f32 v13, v9;
	v0 =	vadd.f32 v8, v0  }
0xb9: {  	v7 =	vadd.f32 v28, v7;
	[tilespmem:$0x9060] =	vst v2  }
0xba: {  	[tilespmem:$0x9040] =	vst v5;
	v0 =	vadd.f32 v27, v0  }
0xbb: {  	[tilespmem:$0x9010] =	vst v7  }
0xbc: {  	s31 =	simm.s32 $0x0;
	[tilespmem:$0x9070] =	vst v0  }
0xbd: {  	[tilespmem:s12], [sflag:$0x2] =	stream.linear.gather [hbm4b:s7+s31], $0x3400, $0x38;
	[tilespmem:$0x9180] =	vst v63  }
0xbe: {  	_ =	swait.ge [sflag:s13], $0x3400  }
0xbf: {  	[sflag:s13] =	ssyncset.done $0x0  }
0xc0: {  	s18 =	simm.s32 $0x0;
	[sflag:s13] =	ssyncadd.s32 $0xFFFFCC00  }
0xc1: {  	v0 =	vld [tilespmem:s18+$0x27A0]  }
0xc2: {  	v1 =	vld [tilespmem:s18+$0x27D0]  }
0xc3: {  	v6 =	vld [tilespmem:s18+$0x27E0]  }
0xc4: {  	v7 =	vld [tilespmem:s18+$0x27B0]  }
0xc5: {  	v8 =	vld [tilespmem:s18+$0x2780]  }
0xc6: {  	v4 =	vld [tilespmem:s18+$0x27F0];
	v2 =	vshrl.u32 v0, $0x10  }
0xc7: {  	v9 =	vld [tilespmem:s18+$0x27C0];
	v0 =	vand.u32 $0xFFFF, v0  }
0xc8: {  	s17 =	simm.s32 $0x80;
	v10 =	vld [tilespmem:s18+$0x2790];
	v5 =	vand.u32 $0xFFFF, v1  }
0xc9: {  	v3 =	vld [tilespmem:s17+$0x27D0];
	v11 =	vshrl.u32 v7, $0x10  }
0xca: {  	v18 =	vld [tilespmem:s17+$0x27A0]  }
0xcb: {  	v1 =	vshrl.u32 v1, $0x10;
	v13 =	vld.idx.msk [tilespmem:v2+s2+$0x0], $0xffff  }
0xcc: {  	v12 =	vshrl.u32 v4, $0x10;
	v0 =	vld.idx.msk [tilespmem:v0+s2+$0x0], $0xffff  }
0xcd: {  	v4 =	vand.u32 $0xFFFF, v4;
	v15 =	vld.idx.msk [tilespmem:v5+s2+$0x0], $0xffff  }
0xce: {  	v14 =	vshrl.u32 v6, $0x10;
	v2 =	vld.idx.msk [tilespmem:v11+s2+$0x0], $0xffff  }
0xcf: {  	v16 =	vshrl.u32 v8, $0x10;
	v5 =	vld [tilespmem:s17+$0x27E0]  }
0xd0: {  	v1 =	vld.idx.msk [tilespmem:v1+s2+$0x0], $0xffff  }
0xd1: {  	v11 =	vshrl.u32 v10, $0x10;
	v19 =	vld.idx.msk [tilespmem:v12+s2+$0x0], $0xffff  }
0xd2: {  	v8 =	vand.u32 $0xFFFF, v8;
	v17 =	vld.idx.msk [tilespmem:v4+s2+$0x0], $0xffff  }
0xd3: {  	v10 =	vand.u32 $0xFFFF, v10;
	v4 =	vld.idx.msk [tilespmem:v14+s2+$0x0], $0xffff  }
0xd4: {  	v20 =	vshrl.u32 v9, $0x10;
	v12 =	vld.idx.msk [tilespmem:v16+s2+$0x0], $0xffff  }
0xd5: {  	v23 =	vand.u32 $0xFFFF, v6;
	v14 =	vld [tilespmem:s17+$0x27B0]  }
0xd6: {  	v22 =	vld.idx.msk [tilespmem:v11+s2+$0x0], $0xffff;
	v11 =	vand.u32 $0xFFFF, v7  }
0xd7: {  	v21 =	vand.u32 $0xFFFF, v9;
	v25 =	vld.idx.msk [tilespmem:v8+s2+$0x0], $0xffff  }
0xd8: {  	v10 =	vld.idx.msk [tilespmem:v10+s2+$0x0], $0xffff;
	v7 =	vimm.f32 $0.0e+00  }
0xd9: {  	v9 =	vld.idx.msk [tilespmem:v20+s2+$0x0], $0xffff;
	v0 =	vadd.f32 v0, v7  }
0xda: {  	v8 =	vadd.f32 v15, v7;
	v15 =	vld.idx.msk [tilespmem:v23+s2+$0x0], $0xffff  }
0xdb: {  	v6 =	vadd.f32 v13, v0;
	v0 =	vadd.f32 v17, v7;
	v16 =	vld.idx.msk [tilespmem:v11+s2+$0x0], $0xffff  }
0xdc: {  	v23 =	vadd.f32 v25, v7;
	v17 =	vld.idx.msk [tilespmem:v21+s2+$0x0], $0xffff;
	v1 =	vadd.f32 v1, v8  }
0xdd: {  	v24 =	vshrl.u32 v18, $0x10;
	v8 =	vadd.f32 v10, v7;
	v0 =	vadd.f32 v19, v0;
	v19 =	vld [tilespmem:s17+$0x2780]  }
0xde: {  	v20 =	vld [tilespmem:s17+$0x27F0];
	v21 =	vand.u32 $0xFFFF, v18;
	v13 =	vimm.f32 $0.0e+00;
	v11 =	vshrl.u32 v5, $0x10  }
0xdf: {  	s18 =	simm.s32 $0x400;
	v18 =	vld [tilespmem:s17+$0x27C0];
	v10 =	vimm.f32 $0.0e+00;
	v8 =	vadd.f32 v22, v8;
	v22 =	vand.u32 $0xFFFF, v3  }
.LBB2_6:
0xe0: {  	p0 =	sne.s32 s18, $0xCE00;
	v25 =	vld [tilespmem:s17+$0x2790];
	s17 =	sshra.s32 s18, $0x2;
	s18 =	sadd.s32 $0x200, s18;
	v26 =	vshrl.u32 v14, $0x10;
	v27 =	vshrl.u32 v3, $0x10;
	v7 =	vadd.f32 v16, v7  }
0xe1: {  	v13 =	vadd.f32 v17, v13;
	v3 =	vld [tilespmem:s17+$0x27D0]  }
0xe2: {  	v23 =	vadd.f32 v12, v23;
	v16 =	vshrl.u32 v19, $0x10;
	v17 =	vld.idx.msk [tilespmem:v24+s2+$0x0], $0xffff;
	v7 =	vadd.f32 v2, v7  }
0xe3: {  	v2 =	vadd.f32 v15, v10;
	v24 =	vld [tilespmem:s17+$0x27A0];
	v12 =	vand.u32 $0xFFFF, v20;
	v20 =	vshrl.u32 v20, $0x10  }
0xe4: {  	v28 =	vand.u32 $0xFFFF, v5;
	v13 =	vadd.f32 v9, v13;
	v15 =	vld.idx.msk [tilespmem:v21+s2+$0x0], $0xffff;
	v21 =	vshrl.u32 v18, $0x10  }
0xe5: {  	v29 =	vand.u32 $0xFFFF, v14;
	v19 =	vand.u32 $0xFFFF, v19;
	v10 =	vadd.f32 v4, v2;
	v9 =	vld.idx.msk [tilespmem:v22+s2+$0x0], $0xffff  }
0xe6: {  	v14 =	vand.u32 $0xFFFF, v25;
	v2 =	vld.idx.msk [tilespmem:v26+s2+$0x0], $0xffff  }
0xe7: {  	v18 =	vand.u32 $0xFFFF, v18;
	v22 =	vshrl.u32 v25, $0x10;
	v5 =	vld [tilespmem:s17+$0x27E0]  }
0xe8: {  	v25 =	vld.idx.msk [tilespmem:v27+s2+$0x0], $0xffff  }
0xe9: {  	v20 =	vld.idx.msk [tilespmem:v20+s2+$0x0], $0xffff  }
0xea: {  	v6 =	vadd.f32 v15, v6;
	v15 =	vld.idx.msk [tilespmem:v12+s2+$0x0], $0xffff  }
0xeb: {  	v4 =	vld.idx.msk [tilespmem:v11+s2+$0x0], $0xffff  }
0xec: {  	v1 =	vadd.f32 v9, v1;
	v6 =	vadd.f32 v17, v6;
	v22 =	vld.idx.msk [tilespmem:v22+s2+$0x0], $0xffff  }
0xed: {  	v12 =	vld.idx.msk [tilespmem:v16+s2+$0x0], $0xffff  }
0xee: {  	v1 =	vadd.f32 v25, v1;
	v11 =	vld.idx.msk [tilespmem:v14+s2+$0x0], $0xffff  }
0xef: {  	v14 =	vld [tilespmem:s17+$0x27B0]  }
0xf0: {  	v0 =	vadd.f32 v15, v0;
	v9 =	vld.idx.msk [tilespmem:v21+s2+$0x0], $0xffff  }
0xf1: {  	v25 =	vld.idx.msk [tilespmem:v19+s2+$0x0], $0xffff  }
0xf2: {  	v0 =	vadd.f32 v20, v0;
	v16 =	vld.idx.msk [tilespmem:v29+s2+$0x0], $0xffff  }
.Ltmp2:
0xf3: {  	v17 =	vld.idx.msk [tilespmem:v18+s2+$0x0], $0xffff;
	(pc) =	sbr.rel @p0 .LBB2_6-.Ltmp2, $4  }
0xf4: {  	v21 =	vand.u32 $0xFFFF, v24;
	v8 =	vadd.f32 v11, v8;
	v15 =	vld.idx.msk [tilespmem:v28+s2+$0x0], $0xffff  }
0xf5: {  	v24 =	vshrl.u32 v24, $0x10;
	v11 =	vshrl.u32 v5, $0x10;
	v19 =	vld [tilespmem:s17+$0x2780]  }
0xf6: {  	v8 =	vadd.f32 v22, v8;
	v20 =	vld [tilespmem:s17+$0x27F0]  }
0xf7: {  	v22 =	vand.u32 $0xFFFF, v3;
	v23 =	vadd.f32 v25, v23;
	v18 =	vld [tilespmem:s17+$0x27C0]  }
0xf8: {  	_ =	sdelay $0x1  }
0xf9: {  	v25 =	vld [tilespmem:s17+$0x2790]  }
0xfa: {  	v26 =	vshrl.u32 v14, $0x10  }
0xfb: {  	v3 =	vshrl.u32 v3, $0x10;
	v24 =	vld.idx.msk [tilespmem:v24+s2+$0x0], $0xffff  }
0xfc: {  	v21 =	vld.idx.msk [tilespmem:v21+s2+$0x0], $0xffff;
	v14 =	vand.u32 $0xFFFF, v14  }
0xfd: {  	v22 =	vld.idx.msk [tilespmem:v22+s2+$0x0], $0xffff;
	v5 =	vand.u32 $0xFFFF, v5  }
0xfe: {  	v11 =	vld.idx.msk [tilespmem:v11+s2+$0x0], $0xffff;
	v28 =	vshrl.u32 v25, $0x10;
	v25 =	vand.u32 $0xFFFF, v25  }
0xff: {  	v29 =	vand.u32 $0xFFFF, v19;
	v26 =	vld.idx.msk [tilespmem:v26+s2+$0x0], $0xffff  }
0x100: {  	v19 =	vshrl.u32 v19, $0x10;
	v3 =	vld.idx.msk [tilespmem:v3+s2+$0x0], $0xffff  }
0x101: {  	v30 =	vand.u32 $0xFFFF, v18;
	v14 =	vld.idx.msk [tilespmem:v14+s2+$0x0], $0xffff  }
0x102: {  	v7 =	vadd.f32 v16, v7;
	v18 =	vshrl.u32 v18, $0x10;
	v5 =	vld.idx.msk [tilespmem:v5+s2+$0x0], $0xffff  }
0x103: {  	v13 =	vadd.f32 v17, v13;
	v16 =	vand.u32 $0xFFFF, v20;
	v25 =	vld.idx.msk [tilespmem:v25+s2+$0x0], $0xffff  }
0x104: {  	v2 =	vadd.f32 v2, v7;
	v7 =	vadd.f32 v15, v10;
	v29 =	vld.idx.msk [tilespmem:v29+s2+$0x0], $0xffff  }
0x105: {  	v12 =	vadd.f32 v12, v23;
	v9 =	vadd.f32 v9, v13;
	v27 =	vshrl.u32 v20, $0x10;
	v19 =	vld.idx.msk [tilespmem:v19+s2+$0x0], $0xffff  }
0x106: {  	v4 =	vadd.f32 v4, v7;
	v6 =	vadd.f32 v21, v6;
	v10 =	vld.idx.msk [tilespmem:v30+s2+$0x0], $0xffff  }
0x107: {  	v1 =	vadd.f32 v22, v1;
	v13 =	vld.idx.msk [tilespmem:v18+s2+$0x0], $0xffff;
	v2 =	vadd.f32 v14, v2  }
0x108: {  	v6 =	vadd.f32 v24, v6;
	v7 =	vadd.f32 v25, v8;
	v8 =	vld.idx.msk [tilespmem:v16+s2+$0x0], $0xffff  }
0x109: {  	v28 =	vld.idx.msk [tilespmem:v28+s2+$0x0], $0xffff;
	v12 =	vadd.f32 v29, v12;
	v2 =	vadd.f32 v26, v2  }
0x10a: {  	v27 =	vld.idx.msk [tilespmem:v27+s2+$0x0], $0xffff;
	v4 =	vadd.f32 v5, v4;
	v1 =	vadd.f32 v3, v1;
	[tilespmem:$0x90A0] =	vst v6  }
0x10b: {  	v12 =	vadd.f32 v19, v12;
	v9 =	vadd.f32 v10, v9;
	[tilespmem:$0x90B0] =	vst v2  }
0x10c: {  	v2 =	vadd.f32 v11, v4;
	[tilespmem:$0x90D0] =	vst v1  }
0x10d: {  	[tilespmem:$0x9080] =	vst v12;
	v5 =	vadd.f32 v13, v9;
	v0 =	vadd.f32 v8, v0  }
0x10e: {  	v7 =	vadd.f32 v28, v7;
	[tilespmem:$0x90E0] =	vst v2  }
0x10f: {  	[tilespmem:$0x90C0] =	vst v5;
	v0 =	vadd.f32 v27, v0  }
0x110: {  	[tilespmem:$0x9090] =	vst v7  }
0x111: {  	[tilespmem:$0x90F0] =	vst v0  }
0x112: {  	_ =	swait.ge [sflag:s14], $0x3400  }
0x113: {  	[sflag:s14] =	ssyncset.done $0x0  }
0x114: {  	s18 =	simm.s32 $0x0;
	[sflag:s14] =	ssyncadd.s32 $0xFFFFCC00  }
0x115: {  	v0 =	vld [tilespmem:s18+$0x5BA0]  }
0x116: {  	v1 =	vld [tilespmem:s18+$0x5BD0]  }
0x117: {  	v6 =	vld [tilespmem:s18+$0x5BE0]  }
0x118: {  	v7 =	vld [tilespmem:s18+$0x5BB0]  }
0x119: {  	v8 =	vld [tilespmem:s18+$0x5B80]  }
0x11a: {  	v4 =	vld [tilespmem:s18+$0x5BF0];
	v2 =	vshrl.u32 v0, $0x10  }
0x11b: {  	v9 =	vld [tilespmem:s18+$0x5BC0];
	v0 =	vand.u32 $0xFFFF, v0  }
0x11c: {  	s17 =	simm.s32 $0x80;
	v10 =	vld [tilespmem:s18+$0x5B90];
	v5 =	vand.u32 $0xFFFF, v1  }
0x11d: {  	v3 =	vld [tilespmem:s17+$0x5BD0];
	v11 =	vshrl.u32 v7, $0x10  }
0x11e: {  	v18 =	vld [tilespmem:s17+$0x5BA0]  }
0x11f: {  	v1 =	vshrl.u32 v1, $0x10;
	v13 =	vld.idx.msk [tilespmem:v2+s2+$0x0], $0xffff  }
0x120: {  	v12 =	vshrl.u32 v4, $0x10;
	v0 =	vld.idx.msk [tilespmem:v0+s2+$0x0], $0xffff  }
0x121: {  	v4 =	vand.u32 $0xFFFF, v4;
	v15 =	vld.idx.msk [tilespmem:v5+s2+$0x0], $0xffff  }
0x122: {  	v14 =	vshrl.u32 v6, $0x10;
	v2 =	vld.idx.msk [tilespmem:v11+s2+$0x0], $0xffff  }
0x123: {  	v16 =	vshrl.u32 v8, $0x10;
	v5 =	vld [tilespmem:s17+$0x5BE0]  }
0x124: {  	v1 =	vld.idx.msk [tilespmem:v1+s2+$0x0], $0xffff  }
0x125: {  	v11 =	vshrl.u32 v10, $0x10;
	v19 =	vld.idx.msk [tilespmem:v12+s2+$0x0], $0xffff  }
0x126: {  	v8 =	vand.u32 $0xFFFF, v8;
	v17 =	vld.idx.msk [tilespmem:v4+s2+$0x0], $0xffff  }
0x127: {  	v10 =	vand.u32 $0xFFFF, v10;
	v4 =	vld.idx.msk [tilespmem:v14+s2+$0x0], $0xffff  }
0x128: {  	v20 =	vshrl.u32 v9, $0x10;
	v12 =	vld.idx.msk [tilespmem:v16+s2+$0x0], $0xffff  }
0x129: {  	v23 =	vand.u32 $0xFFFF, v6;
	v14 =	vld [tilespmem:s17+$0x5BB0]  }
0x12a: {  	v22 =	vld.idx.msk [tilespmem:v11+s2+$0x0], $0xffff;
	v11 =	vand.u32 $0xFFFF, v7  }
0x12b: {  	v21 =	vand.u32 $0xFFFF, v9;
	v25 =	vld.idx.msk [tilespmem:v8+s2+$0x0], $0xffff  }
0x12c: {  	v10 =	vld.idx.msk [tilespmem:v10+s2+$0x0], $0xffff;
	v7 =	vimm.f32 $0.0e+00  }
0x12d: {  	v9 =	vld.idx.msk [tilespmem:v20+s2+$0x0], $0xffff;
	v0 =	vadd.f32 v0, v7  }
0x12e: {  	v8 =	vadd.f32 v15, v7;
	v15 =	vld.idx.msk [tilespmem:v23+s2+$0x0], $0xffff  }
0x12f: {  	v6 =	vadd.f32 v13, v0;
	v0 =	vadd.f32 v17, v7;
	v16 =	vld.idx.msk [tilespmem:v11+s2+$0x0], $0xffff  }
0x130: {  	v23 =	vadd.f32 v25, v7;
	v17 =	vld.idx.msk [tilespmem:v21+s2+$0x0], $0xffff;
	v1 =	vadd.f32 v1, v8  }
0x131: {  	v24 =	vshrl.u32 v18, $0x10;
	v8 =	vadd.f32 v10, v7;
	v0 =	vadd.f32 v19, v0;
	v19 =	vld [tilespmem:s17+$0x5B80]  }
0x132: {  	v20 =	vld [tilespmem:s17+$0x5BF0];
	v21 =	vand.u32 $0xFFFF, v18;
	v13 =	vimm.f32 $0.0e+00;
	v11 =	vshrl.u32 v5, $0x10  }
0x133: {  	s18 =	simm.s32 $0x400;
	v18 =	vld [tilespmem:s17+$0x5BC0];
	v10 =	vimm.f32 $0.0e+00;
	v8 =	vadd.f32 v22, v8;
	v22 =	vand.u32 $0xFFFF, v3  }
.LBB2_8:
0x134: {  	p0 =	sne.s32 s18, $0xCE00;
	v25 =	vld [tilespmem:s17+$0x5B90];
	s17 =	sshra.s32 s18, $0x2;
	s18 =	sadd.s32 $0x200, s18;
	v26 =	vshrl.u32 v14, $0x10;
	v27 =	vshrl.u32 v3, $0x10;
	v7 =	vadd.f32 v16, v7  }
0x135: {  	v13 =	vadd.f32 v17, v13;
	v3 =	vld [tilespmem:s17+$0x5BD0]  }
0x136: {  	v23 =	vadd.f32 v12, v23;
	v16 =	vshrl.u32 v19, $0x10;
	v17 =	vld.idx.msk [tilespmem:v24+s2+$0x0], $0xffff;
	v7 =	vadd.f32 v2, v7  }
0x137: {  	v2 =	vadd.f32 v15, v10;
	v24 =	vld [tilespmem:s17+$0x5BA0];
	v12 =	vand.u32 $0xFFFF, v20;
	v20 =	vshrl.u32 v20, $0x10  }
0x138: {  	v28 =	vand.u32 $0xFFFF, v5;
	v13 =	vadd.f32 v9, v13;
	v15 =	vld.idx.msk [tilespmem:v21+s2+$0x0], $0xffff;
	v21 =	vshrl.u32 v18, $0x10  }
0x139: {  	v29 =	vand.u32 $0xFFFF, v14;
	v19 =	vand.u32 $0xFFFF, v19;
	v10 =	vadd.f32 v4, v2;
	v9 =	vld.idx.msk [tilespmem:v22+s2+$0x0], $0xffff  }
0x13a: {  	v14 =	vand.u32 $0xFFFF, v25;
	v2 =	vld.idx.msk [tilespmem:v26+s2+$0x0], $0xffff  }
0x13b: {  	v18 =	vand.u32 $0xFFFF, v18;
	v22 =	vshrl.u32 v25, $0x10;
	v5 =	vld [tilespmem:s17+$0x5BE0]  }
0x13c: {  	v25 =	vld.idx.msk [tilespmem:v27+s2+$0x0], $0xffff  }
0x13d: {  	v20 =	vld.idx.msk [tilespmem:v20+s2+$0x0], $0xffff  }
0x13e: {  	v6 =	vadd.f32 v15, v6;
	v15 =	vld.idx.msk [tilespmem:v12+s2+$0x0], $0xffff  }
0x13f: {  	v4 =	vld.idx.msk [tilespmem:v11+s2+$0x0], $0xffff  }
0x140: {  	v1 =	vadd.f32 v9, v1;
	v6 =	vadd.f32 v17, v6;
	v22 =	vld.idx.msk [tilespmem:v22+s2+$0x0], $0xffff  }
0x141: {  	v12 =	vld.idx.msk [tilespmem:v16+s2+$0x0], $0xffff  }
0x142: {  	v1 =	vadd.f32 v25, v1;
	v11 =	vld.idx.msk [tilespmem:v14+s2+$0x0], $0xffff  }
0x143: {  	v14 =	vld [tilespmem:s17+$0x5BB0]  }
0x144: {  	v0 =	vadd.f32 v15, v0;
	v9 =	vld.idx.msk [tilespmem:v21+s2+$0x0], $0xffff  }
0x145: {  	v25 =	vld.idx.msk [tilespmem:v19+s2+$0x0], $0xffff  }
0x146: {  	v0 =	vadd.f32 v20, v0;
	v16 =	vld.idx.msk [tilespmem:v29+s2+$0x0], $0xffff  }
.Ltmp3:
0x147: {  	v17 =	vld.idx.msk [tilespmem:v18+s2+$0x0], $0xffff;
	(pc) =	sbr.rel @p0 .LBB2_8-.Ltmp3, $4  }
0x148: {  	v21 =	vand.u32 $0xFFFF, v24;
	v8 =	vadd.f32 v11, v8;
	v15 =	vld.idx.msk [tilespmem:v28+s2+$0x0], $0xffff  }
0x149: {  	v24 =	vshrl.u32 v24, $0x10;
	v11 =	vshrl.u32 v5, $0x10;
	v19 =	vld [tilespmem:s17+$0x5B80]  }
0x14a: {  	v8 =	vadd.f32 v22, v8;
	v20 =	vld [tilespmem:s17+$0x5BF0]  }
0x14b: {  	v22 =	vand.u32 $0xFFFF, v3;
	v23 =	vadd.f32 v25, v23;
	v18 =	vld [tilespmem:s17+$0x5BC0]  }
0x14c: {  	_ =	sdelay $0x2  }
0x14d: {  	v25 =	vld [tilespmem:s17+$0x5B90];
	v26 =	vshrl.u32 v14, $0x10  }
0x14e: {  	v3 =	vshrl.u32 v3, $0x10;
	v24 =	vld.idx.msk [tilespmem:v24+s2+$0x0], $0xffff  }
0x14f: {  	v21 =	vld.idx.msk [tilespmem:v21+s2+$0x0], $0xffff;
	v54 =	vand.u32 $0xFFFF, v14  }
0x150: {  	v22 =	vld.idx.msk [tilespmem:v22+s2+$0x0], $0xffff;
	v5 =	vand.u32 $0xFFFF, v5  }
0x151: {  	v11 =	vld.idx.msk [tilespmem:v11+s2+$0x0], $0xffff;
	v29 =	vand.u32 $0xFFFF, v19  }
0x152: {  	v53 =	vshrl.u32 v19, $0x10;
	v26 =	vld.idx.msk [tilespmem:v26+s2+$0x0], $0xffff  }
0x153: {  	v27 =	vshrl.u32 v20, $0x10;
	v3 =	vld.idx.msk [tilespmem:v3+s2+$0x0], $0xffff  }
0x154: {  	v56 =	vand.u32 $0xFFFF, v20;
	v14 =	vld.idx.msk [tilespmem:v54+s2+$0x0], $0xffff  }
0x155: {  	v30 =	vand.u32 $0xFFFF, v18;
	v5 =	vld.idx.msk [tilespmem:v5+s2+$0x0], $0xffff  }
0x156: {  	v7 =	vadd.f32 v16, v7;
	v28 =	vshrl.u32 v25, $0x10;
	v25 =	vand.u32 $0xFFFF, v25;
	v29 =	vld.idx.msk [tilespmem:v29+s2+$0x0], $0xffff  }
0x157: {  	v13 =	vadd.f32 v17, v13;
	v12 =	vadd.f32 v12, v23;
	v55 =	vshrl.u32 v18, $0x10;
	v19 =	vld.idx.msk [tilespmem:v53+s2+$0x0], $0xffff  }
0x158: {  	v57 =	vadd.f32 v15, v10;
	v2 =	vadd.f32 v2, v7;
	v27 =	vld.idx.msk [tilespmem:v27+s2+$0x0], $0xffff  }
0x159: {  	v9 =	vadd.f32 v9, v13;
	v6 =	vadd.f32 v21, v6;
	v61 =	vld.idx.msk [tilespmem:v56+s2+$0x0], $0xffff  }
0x15a: {  	v4 =	vadd.f32 v4, v57;
	v1 =	vadd.f32 v22, v1;
	v58 =	vld.idx.msk [tilespmem:v30+s2+$0x0], $0xffff  }
0x15b: {  	v6 =	vadd.f32 v24, v6;
	v25 =	vld.idx.msk [tilespmem:v25+s2+$0x0], $0xffff;
	v2 =	vadd.f32 v14, v2  }
0x15c: {  	v59 =	vld.idx.msk [tilespmem:v55+s2+$0x0], $0xffff;
	v4 =	vadd.f32 v5, v4;
	v1 =	vadd.f32 v3, v1  }
0x15d: {  	v28 =	vld.idx.msk [tilespmem:v28+s2+$0x0], $0xffff;
	[tilespmem:$0x9120] =	vst v6;
	v12 =	vadd.f32 v29, v12;
	v2 =	vadd.f32 v26, v2  }
0x15e: {  	v63 =	vadd.f32 v11, v4;
	[tilespmem:$0x9150] =	vst v1;
	v0 =	vadd.f32 v61, v0  }
0x15f: {  	v12 =	vadd.f32 v19, v12;
	v9 =	vadd.f32 v58, v9;
	[tilespmem:$0x9130] =	vst v2  }
0x160: {  	[tilespmem:$0x9160] =	vst v63;
	v60 =	vadd.f32 v25, v8;
	v0 =	vadd.f32 v27, v0  }
0x161: {  	[tilespmem:$0x9100] =	vst v12;
	v62 =	vadd.f32 v59, v9  }
0x162: {  	s16 =	sadd.s32 $0x1, s16;
	v7 =	vadd.f32 v28, v60;
	[tilespmem:$0x9170] =	vst v0  }
0x163: {  	p0 =	sne.s32 s16, s9;
	[tilespmem:$0x9140] =	vst v62  }
.Ltmp4:
0x164: {  	[tilespmem:$0x9110] =	vst v7;
	(pc) =	sbr.rel @p0 .LBB2_1-.Ltmp4, $4  }
0x165: {  	[hbm4b:s8+s2] =	stream.linear.scatter [tilespmem:s15], [sflag:$0x3], $0x200, $0x38;
	[tilespmem:$0x9180] =	vst v63  }
0x166: {  	_ =	swait.ge [sflag:s11], $0x200  }
0x167: {  	[sflag:s11] =	ssyncset.done $0x0  }
0x168: {  	[sflag:s11] =	ssyncadd.s32 $0xFFFFFE00  }
0x169: {  	_ =	sfence.sel $0x180000  }
0x16a: {  	[bflag:$0x0] =	sbarrier.arrive $0xFFFF  }
0x16b: {  	p0 =	sne.s32 s0, $0x0;
	_ =	strace $0x90000047  }
0x16c: {  	s0 =	sadd.s32 @!p0 $0x100000, s1;
	[bflag:$0x2] =	sbarrier.arrive $0xFFFF  }
0x16d: {  	[sflag:s0] =	ssyncadd.tile.s32 @!p0 $0x1;
	_ =	shalt  }
.Lfunc_end2:
_tile_overlayer_lowered:
.L_overlay_start_2:
0x16e: {  	(tag) =	ssettag $0x2  }
0x16f: {  	s0 =	rddreg [dreg:$0x0];
	s2 =	stileid.u32  }
0x170: {  	s1 =	rddreg [dreg:$0x1];
	p0 =	sne.s32 s2, $0x0  }
0x171: {  	s3 =	rddreg [dreg:$0x2];
	[bflag:$0x3] =	sbarrier.arrive $0xFFFF;
	s2 =	simm.s32 @!p0 $0x1C03  }
0x172: {  	[timem:s3], [sflag:s2] =	dma.local @!p0 [hbm:s0], s1  }
0x173: {  	s0 =	simm.s32 @!p0 $0x3  }
0x174: {  	_ =	swait.ge @!p0 [sflag:s0], s1  }
0x175: {  	s1 =	ssub.s32 @!p0 $0x0, s1;
	[sflag:s0] =	ssyncset.done @!p0 $0x0  }
0x176: {  	[sflag:s0] =	ssyncadd.s32 @!p0 s1  }
0x177: {  	[bflag:$0x3] =	sbarrier.arrive $0xFFFF  }
0x178: {  	_ =	shalt  }

</sc_bundles>
